<compile_context>
chip_gen: v7x
topology: tpu7x:2x2x1
jax: 0.10.2.dev20260603
libtpu: 0.0.44.dev20260713+nightly
codegen_flags: <defaults>
</compile_context>

<pallas_src>
import functools

import jax
import jax.numpy as jnp
from jax import lax
from jax.experimental import pallas as pl
from jax.experimental.pallas import tpu as pltpu
from jax.experimental.pallas import tpu_sc as plsc

DIM = 128
NUM_CORES = 2
NUM_SUBCORES = 16
NUM_WORKERS = NUM_CORES * NUM_SUBCORES
CHUNK = 160
NBUF = 4


def kernel(x, weight):
    b0, b1 = x.shape
    num_idx = b0 * b1
    idx = x.astype(jnp.int32).T.reshape(num_idx)
    per_worker = num_idx // NUM_WORKERS
    n_chunks = per_worker // CHUNK
    n_groups = n_chunks // NBUF

    mesh = plsc.VectorSubcoreMesh(core_axis_name="c", subcore_axis_name="s")

    @functools.partial(
        pl.kernel,
        mesh=mesh,
        out_type=jax.ShapeDtypeStruct((num_idx, DIM), jnp.float32),
        scratch_types=[
            pltpu.VMEM((per_worker,), jnp.int32),
            pltpu.VMEM((NBUF, CHUNK, DIM), jnp.float32),
            pltpu.VMEM_SHARED((NUM_SUBCORES, 2, CHUNK, DIM), jnp.float32),
            pltpu.SemaphoreType.DMA((NBUF,)),
            pltpu.SemaphoreType.DMA((2,)),
        ],
    )
    def gather_kernel(table_hbm, idx_hbm, out_hbm, idx_v, rows_v, sp, gsems, ssems):
        wid = lax.axis_index("s") * NUM_CORES + lax.axis_index("c")
        tid = lax.axis_index("s")
        base = wid * per_worker

        def gather_desc(i, b):
            return pltpu.make_async_copy(
                table_hbm.at[idx_v.at[pl.ds(i * CHUNK, CHUNK)]],
                rows_v.at[b],
                gsems.at[b],
            )

        def store_desc(i, s):
            return pltpu.make_async_copy(
                sp.at[tid, s],
                out_hbm.at[pl.ds(base + i * CHUNK, CHUNK)],
                ssems.at[s],
            )

        pltpu.sync_copy(idx_hbm.at[pl.ds(base, per_worker)], idx_v)

        for b in range(NBUF):
            gather_desc(b, b).start()

        def step(i, b, refill, drain):
            s = b % 2
            gather_desc(i, b).wait()
            if drain:
                store_desc(i - 2, s).wait()
            pltpu.sync_copy(rows_v.at[b], sp.at[tid, s])
            if refill:
                gather_desc(i + NBUF, b).start()
            store_desc(i, s).start()

        for b in range(NBUF):
            step(b, b, refill=True, drain=b >= 2)

        @pl.loop(1, n_groups - 1)
        def _(g):
            for b in range(NBUF):
                step(g * NBUF + b, b, refill=True, drain=True)

        last = (n_groups - 1) * NBUF
        for b in range(NBUF):
            step(last + b, b, refill=False, drain=True)
        store_desc(last + 2, 0).wait()
        store_desc(last + 3, 1).wait()

    out = gather_kernel(weight, idx)
    return out.reshape(b1, b0, DIM).transpose(1, 0, 2)

# --- scband reference (transcript-rebuilt; emitter-appended) ---
"""Pipeline reference for scband-parallel-embedding-48722109006493 (READ-ONLY COPY).

The authoritative reference and input builder live on the scoring server;
editing this copy changes nothing except your own understanding.
"""

import jax, jax.numpy as jnp
import numpy as np

VOCAB_SIZE = 100000
DIM = 128

def setup_inputs(seed: int = 0) -> dict:
    key = jax.random.key(seed)
    k_idx, k_w = jax.random.split(key)
    x = jax.random.randint(k_idx, (4096, 50), 0, VOCAB_SIZE, dtype=jnp.int64 if jax.config.jax_enable_x64 else jnp.int32)
    weight = jax.random.normal(k_w, (VOCAB_SIZE, DIM), dtype=jnp.float32) * 0.02
    return {"x": x, "weight": weight}

def reference(x, weight):
    # F.embedding(x, self.weight) -> gather rows of weight by token index
    y = jnp.take(weight, x, axis=0)
    return y

if __name__ == "__main__":
    import jax
    _d = setup_inputs()
    print(jax.jit(kernel)(*tuple(_d.values())))

</pallas_src>

<mosaic_0001>
#map = affine_map<(d0, d1) -> (0, 0)>
#map1 = affine_map<(d0, d1) -> (0)>
module attributes {stable_mosaic.version = 14 : i64} {
  func.func @gather_kernel(%arg0: i32, %arg1: i32, %arg2: memref<100000x128xf32, #tpu.memory_space<hbm>>, %arg3: memref<204800xi32, #tpu.memory_space<hbm>>, %arg4: memref<204800x128xf32, #tpu.memory_space<hbm>>, %arg5: memref<6400xi32, #tpu.memory_space<vmem>>, %arg6: memref<4x160x128xf32, #tpu.memory_space<vmem>>, %arg7: memref<16x2x160x128xf32, #tpu.memory_space<vmem_shared>>, %arg8: memref<4x!tpu.dma_semaphore, #tpu.memory_space<semaphore_mem>>, %arg9: memref<2x!tpu.dma_semaphore, #tpu.memory_space<semaphore_mem>>) attributes {dimension_semantics = [#tpu.dimension_semantics<core_parallel>, #tpu.dimension_semantics<subcore_parallel>], iteration_bounds = array<i64: 2, 16>, scalar_prefetch = 0 : i64, scratch_operands = 5 : i64, tpu.core_type = #tpu.core_type<sc_vector_subcore>, window_params = [{transform_indices = #map}, {transform_indices = #map1}, {transform_indices = #map}]} {
    %mul3A = arith.constant 2 : i32
    %mul3A_0 = arith.muli %arg1, %mul3A : i32
    %add3A = arith.addi %mul3A_0, %arg0 : i32
    %mul3A_1 = arith.constant 6400 : i32
    %mul3A_2 = arith.muli %add3A, %mul3A_1 : i32
    "tpu.region"() ({
      %run_scoped3A_420 = tpu.sem_alloc : memref<!tpu.dma_semaphore, #tpu.memory_space<semaphore_mem>>
      %dma_start3A_421 = tpu.memref_slice %arg3[%mul3A_2] : memref<204800xi32, #tpu.memory_space<hbm>> -> memref<6400xi32, #tpu.memory_space<hbm>>
      %dma_start3A_422 = tpu.memref_slice %arg3[%mul3A_2] : memref<204800xi32, #tpu.memory_space<hbm>> -> memref<6400xi32, #tpu.memory_space<hbm>>
      tpu.enqueue_dma source(%dma_start3A_422 : memref<6400xi32, #tpu.memory_space<hbm>>) target(%arg5 : memref<6400xi32, #tpu.memory_space<vmem>>) target_semaphore(%run_scoped3A_420 : memref<!tpu.dma_semaphore, #tpu.memory_space<semaphore_mem>>)
      %dma_wait3A_423 = tpu.memref_slice %arg3[%mul3A_2] : memref<204800xi32, #tpu.memory_space<hbm>> -> memref<6400xi32, #tpu.memory_space<hbm>>
      %dma_wait3A_424 = tpu.memref_slice %arg3[%mul3A_2] : memref<204800xi32, #tpu.memory_space<hbm>> -> memref<6400xi32, #tpu.memory_space<hbm>>
      tpu.wait_dma2 semaphore(%run_scoped3A_420 : memref<!tpu.dma_semaphore, #tpu.memory_space<semaphore_mem>>) src(%dma_wait3A_424 : memref<6400xi32, #tpu.memory_space<hbm>>) dst(%arg5 : memref<6400xi32, #tpu.memory_space<vmem>>)
      tpu.yield
    }) : () -> ()
    %dma_start3A = arith.constant 0 : i32
    %dma_start3A_3 = arith.constant 0 : i32
    %dma_start3A_4 = arith.constant 0 : i32
    %dma_start3A_5 = arith.constant 0 : i32
    %dma_start3A_6 = tpu.memref_slice %arg6[%dma_start3A, %dma_start3A_4, %dma_start3A_5] : memref<4x160x128xf32, #tpu.memory_space<vmem>> -> memref<1x160x128xf32, #tpu.memory_space<vmem>>
    %dma_start3A_7 = tpu.memref_squeeze %dma_start3A_6 : memref<1x160x128xf32, #tpu.memory_space<vmem>> -> memref<160x128xf32, #tpu.memory_space<vmem>>
    %dma_start3A_8 = arith.constant 0 : i32
    %dma_start3A_9 = tpu.memref_slice %arg5[%dma_start3A_8] : memref<6400xi32, #tpu.memory_space<vmem>> -> memref<160xi32, #tpu.memory_space<vmem>>
    %dma_start3A_10 = arith.constant 0 : i32
    %dma_start3A_11 = arith.constant 0 : i32
    %dma_start3A_12 = tpu.memref_slice %arg2[%dma_start3A_10, %dma_start3A_11] : memref<100000x128xf32, #tpu.memory_space<hbm>> -> memref<100000x128xf32, #tpu.memory_space<hbm>>
    %dma_start3A_13 = tpu.memref_slice %arg8[%dma_start3A_3] : memref<4x!tpu.dma_semaphore, #tpu.memory_space<semaphore_mem>> -> memref<1x!tpu.dma_semaphore, #tpu.memory_space<semaphore_mem>>
    %dma_start3A_14 = tpu.memref_squeeze %dma_start3A_13 : memref<1x!tpu.dma_semaphore, #tpu.memory_space<semaphore_mem>> -> memref<!tpu.dma_semaphore, #tpu.memory_space<semaphore_mem>>
    tpu.enqueue_indirect_dma source(%dma_start3A_12 : memref<100000x128xf32, #tpu.memory_space<hbm>>) target(%dma_start3A_7 : memref<160x128xf32, #tpu.memory_space<vmem>>) offsets(%dma_start3A_9 : memref<160xi32, #tpu.memory_space<vmem>>) semaphore(%dma_start3A_14 : memref<!tpu.dma_semaphore, #tpu.memory_space<semaphore_mem>>)
    %dma_start3A_15 = arith.constant 1 : i32
    %dma_start3A_16 = arith.constant 1 : i32
    %dma_start3A_17 = arith.constant 0 : i32
    %dma_start3A_18 = arith.constant 0 : i32
    %dma_start3A_19 = tpu.memref_slice %arg6[%dma_start3A_15, %dma_start3A_17, %dma_start3A_18] : memref<4x160x128xf32, #tpu.memory_space<vmem>> -> memref<1x160x128xf32, #tpu.memory_space<vmem>>
    %dma_start3A_20 = tpu.memref_squeeze %dma_start3A_19 : memref<1x160x128xf32, #tpu.memory_space<vmem>> -> memref<160x128xf32, #tpu.memory_space<vmem>>
    %dma_start3A_21 = arith.constant 160 : i32
    %dma_start3A_22 = tpu.memref_slice %arg5[%dma_start3A_21] : memref<6400xi32, #tpu.memory_space<vmem>> -> memref<160xi32, #tpu.memory_space<vmem>>
    %dma_start3A_23 = arith.constant 0 : i32
    %dma_start3A_24 = arith.constant 0 : i32
    %dma_start3A_25 = tpu.memref_slice %arg2[%dma_start3A_23, %dma_start3A_24] : memref<100000x128xf32, #tpu.memory_space<hbm>> -> memref<100000x128xf32, #tpu.memory_space<hbm>>
    %dma_start3A_26 = tpu.memref_slice %arg8[%dma_start3A_16] : memref<4x!tpu.dma_semaphore, #tpu.memory_space<semaphore_mem>> -> memref<1x!tpu.dma_semaphore, #tpu.memory_space<semaphore_mem>>
    %dma_start3A_27 = tpu.memref_squeeze %dma_start3A_26 : memref<1x!tpu.dma_semaphore, #tpu.memory_space<semaphore_mem>> -> memref<!tpu.dma_semaphore, #tpu.memory_space<semaphore_mem>>
    tpu.enqueue_indirect_dma source(%dma_start3A_25 : memref<100000x128xf32, #tpu.memory_space<hbm>>) target(%dma_start3A_20 : memref<160x128xf32, #tpu.memory_space<vmem>>) offsets(%dma_start3A_22 : memref<160xi32, #tpu.memory_space<vmem>>) semaphore(%dma_start3A_27 : memref<!tpu.dma_semaphore, #tpu.memory_space<semaphore_mem>>)
    %dma_start3A_28 = arith.constant 2 : i32
    %dma_start3A_29 = arith.constant 2 : i32
    %dma_start3A_30 = arith.constant 0 : i32
    %dma_start3A_31 = arith.constant 0 : i32
    %dma_start3A_32 = tpu.memref_slice %arg6[%dma_start3A_28, %dma_start3A_30, %dma_start3A_31] : memref<4x160x128xf32, #tpu.memory_space<vmem>> -> memref<1x160x128xf32, #tpu.memory_space<vmem>>
    %dma_start3A_33 = tpu.memref_squeeze %dma_start3A_32 : memref<1x160x128xf32, #tpu.memory_space<vmem>> -> memref<160x128xf32, #tpu.memory_space<vmem>>
    %dma_start3A_34 = arith.constant 320 : i32
    %dma_start3A_35 = tpu.memref_slice %arg5[%dma_start3A_34] : memref<6400xi32, #tpu.memory_space<vmem>> -> memref<160xi32, #tpu.memory_space<vmem>>
    %dma_start3A_36 = arith.constant 0 : i32
    %dma_start3A_37 = arith.constant 0 : i32
    %dma_start3A_38 = tpu.memref_slice %arg2[%dma_start3A_36, %dma_start3A_37] : memref<100000x128xf32, #tpu.memory_space<hbm>> -> memref<100000x128xf32, #tpu.memory_space<hbm>>
    %dma_start3A_39 = tpu.memref_slice %arg8[%dma_start3A_29] : memref<4x!tpu.dma_semaphore, #tpu.memory_space<semaphore_mem>> -> memref<1x!tpu.dma_semaphore, #tpu.memory_space<semaphore_mem>>
    %dma_start3A_40 = tpu.memref_squeeze %dma_start3A_39 : memref<1x!tpu.dma_semaphore, #tpu.memory_space<semaphore_mem>> -> memref<!tpu.dma_semaphore, #tpu.memory_space<semaphore_mem>>
    tpu.enqueue_indirect_dma source(%dma_start3A_38 : memref<100000x128xf32, #tpu.memory_space<hbm>>) target(%dma_start3A_33 : memref<160x128xf32, #tpu.memory_space<vmem>>) offsets(%dma_start3A_35 : memref<160xi32, #tpu.memory_space<vmem>>) semaphore(%dma_start3A_40 : memref<!tpu.dma_semaphore, #tpu.memory_space<semaphore_mem>>)
    %dma_start3A_41 = arith.constant 3 : i32
    %dma_start3A_42 = arith.constant 3 : i32
    %dma_start3A_43 = arith.constant 0 : i32
    %dma_start3A_44 = arith.constant 0 : i32
    %dma_start3A_45 = tpu.memref_slice %arg6[%dma_start3A_41, %dma_start3A_43, %dma_start3A_44] : memref<4x160x128xf32, #tpu.memory_space<vmem>> -> memref<1x160x128xf32, #tpu.memory_space<vmem>>
    %dma_start3A_46 = tpu.memref_squeeze %dma_start3A_45 : memref<1x160x128xf32, #tpu.memory_space<vmem>> -> memref<160x128xf32, #tpu.memory_space<vmem>>
    %dma_start3A_47 = arith.constant 480 : i32
    %dma_start3A_48 = tpu.memref_slice %arg5[%dma_start3A_47] : memref<6400xi32, #tpu.memory_space<vmem>> -> memref<160xi32, #tpu.memory_space<vmem>>
    %dma_start3A_49 = arith.constant 0 : i32
    %dma_start3A_50 = arith.constant 0 : i32
    %dma_start3A_51 = tpu.memref_slice %arg2[%dma_start3A_49, %dma_start3A_50] : memref<100000x128xf32, #tpu.memory_space<hbm>> -> memref<100000x128xf32, #tpu.memory_space<hbm>>
    %dma_start3A_52 = tpu.memref_slice %arg8[%dma_start3A_42] : memref<4x!tpu.dma_semaphore, #tpu.memory_space<semaphore_mem>> -> memref<1x!tpu.dma_semaphore, #tpu.memory_space<semaphore_mem>>
    %dma_start3A_53 = tpu.memref_squeeze %dma_start3A_52 : memref<1x!tpu.dma_semaphore, #tpu.memory_space<semaphore_mem>> -> memref<!tpu.dma_semaphore, #tpu.memory_space<semaphore_mem>>
    tpu.enqueue_indirect_dma source(%dma_start3A_51 : memref<100000x128xf32, #tpu.memory_space<hbm>>) target(%dma_start3A_46 : memref<160x128xf32, #tpu.memory_space<vmem>>) offsets(%dma_start3A_48 : memref<160xi32, #tpu.memory_space<vmem>>) semaphore(%dma_start3A_53 : memref<!tpu.dma_semaphore, #tpu.memory_space<semaphore_mem>>)
    %dma_wait3A = arith.constant 0 : i32
    %dma_wait3A_54 = arith.constant 0 : i32
    %dma_wait3A_55 = arith.constant 0 : i32
    %dma_wait3A_56 = arith.constant 0 : i32
    %dma_wait3A_57 = tpu.memref_slice %arg6[%dma_wait3A, %dma_wait3A_55, %dma_wait3A_56] : memref<4x160x128xf32, #tpu.memory_space<vmem>> -> memref<1x160x128xf32, #tpu.memory_space<vmem>>
    %dma_wait3A_58 = tpu.memref_squeeze %dma_wait3A_57 : memref<1x160x128xf32, #tpu.memory_space<vmem>> -> memref<160x128xf32, #tpu.memory_space<vmem>>
    %dma_wait3A_59 = arith.constant 0 : i32
    %dma_wait3A_60 = tpu.memref_slice %arg5[%dma_wait3A_59] : memref<6400xi32, #tpu.memory_space<vmem>> -> memref<160xi32, #tpu.memory_space<vmem>>
    %dma_wait3A_61 = arith.constant 0 : i32
    %dma_wait3A_62 = arith.constant 0 : i32
    %dma_wait3A_63 = tpu.memref_slice %arg2[%dma_wait3A_61, %dma_wait3A_62] : memref<100000x128xf32, #tpu.memory_space<hbm>> -> memref<100000x128xf32, #tpu.memory_space<hbm>>
    %dma_wait3A_64 = tpu.memref_slice %arg8[%dma_wait3A_54] : memref<4x!tpu.dma_semaphore, #tpu.memory_space<semaphore_mem>> -> memref<1x!tpu.dma_semaphore, #tpu.memory_space<semaphore_mem>>
    %dma_wait3A_65 = tpu.memref_squeeze %dma_wait3A_64 : memref<1x!tpu.dma_semaphore, #tpu.memory_space<semaphore_mem>> -> memref<!tpu.dma_semaphore, #tpu.memory_space<semaphore_mem>>
    tpu.wait_indirect_dma semaphore(%dma_wait3A_65 : memref<!tpu.dma_semaphore, #tpu.memory_space<semaphore_mem>>) src(%dma_wait3A_63 : memref<100000x128xf32, #tpu.memory_space<hbm>>) dst(%dma_wait3A_58 : memref<160x128xf32, #tpu.memory_space<vmem>>)
    %run_scoped3A = arith.constant 0 : i32
    %run_scoped3A_66 = arith.constant 0 : i32
    "tpu.region"() ({
      %run_scoped3A_420 = tpu.sem_alloc : memref<!tpu.dma_semaphore, #tpu.memory_space<semaphore_mem>>
      %dma_start3A_421 = arith.constant 0 : i32
      %dma_start3A_422 = arith.constant 0 : i32
      %dma_start3A_423 = tpu.memref_slice %arg6[%run_scoped3A, %dma_start3A_421, %dma_start3A_422] : memref<4x160x128xf32, #tpu.memory_space<vmem>> -> memref<1x160x128xf32, #tpu.memory_space<vmem>>
      %dma_start3A_424 = tpu.memref_squeeze %dma_start3A_423 : memref<1x160x128xf32, #tpu.memory_space<vmem>> -> memref<160x128xf32, #tpu.memory_space<vmem>>
      %dma_start3A_425 = arith.constant 0 : i32
      %dma_start3A_426 = arith.constant 0 : i32
      %dma_start3A_427 = tpu.memref_slice %arg7[%arg1, %run_scoped3A_66, %dma_start3A_425, %dma_start3A_426] : memref<16x2x160x128xf32, #tpu.memory_space<vmem_shared>> -> memref<1x1x160x128xf32, #tpu.memory_space<vmem_shared>>
      %dma_start3A_428 = tpu.memref_squeeze %dma_start3A_427 : memref<1x1x160x128xf32, #tpu.memory_space<vmem_shared>> -> memref<160x128xf32, #tpu.memory_space<vmem_shared>>
      %dma_start3A_429 = arith.constant 0 : i32
      %dma_start3A_430 = arith.constant 0 : i32
      %dma_start3A_431 = tpu.memref_slice %arg7[%arg1, %run_scoped3A_66, %dma_start3A_429, %dma_start3A_430] : memref<16x2x160x128xf32, #tpu.memory_space<vmem_shared>> -> memref<1x1x160x128xf32, #tpu.memory_space<vmem_shared>>
      %dma_start3A_432 = tpu.memref_squeeze %dma_start3A_431 : memref<1x1x160x128xf32, #tpu.memory_space<vmem_shared>> -> memref<160x128xf32, #tpu.memory_space<vmem_shared>>
      %dma_start3A_433 = arith.constant 0 : i32
      %dma_start3A_434 = arith.constant 0 : i32
      %dma_start3A_435 = tpu.memref_slice %arg6[%run_scoped3A, %dma_start3A_433, %dma_start3A_434] : memref<4x160x128xf32, #tpu.memory_space<vmem>> -> memref<1x160x128xf32, #tpu.memory_space<vmem>>
      %dma_start3A_436 = tpu.memref_squeeze %dma_start3A_435 : memref<1x160x128xf32, #tpu.memory_space<vmem>> -> memref<160x128xf32, #tpu.memory_space<vmem>>
      tpu.enqueue_dma source(%dma_start3A_436 : memref<160x128xf32, #tpu.memory_space<vmem>>) target(%dma_start3A_432 : memref<160x128xf32, #tpu.memory_space<vmem_shared>>) target_semaphore(%run_scoped3A_420 : memref<!tpu.dma_semaphore, #tpu.memory_space<semaphore_mem>>)
      %dma_wait3A_437 = arith.constant 0 : i32
      %dma_wait3A_438 = arith.constant 0 : i32
      %dma_wait3A_439 = tpu.memref_slice %arg6[%run_scoped3A, %dma_wait3A_437, %dma_wait3A_438] : memref<4x160x128xf32, #tpu.memory_space<vmem>> -> memref<1x160x128xf32, #tpu.memory_space<vmem>>
      %dma_wait3A_440 = tpu.memref_squeeze %dma_wait3A_439 : memref<1x160x128xf32, #tpu.memory_space<vmem>> -> memref<160x128xf32, #tpu.memory_space<vmem>>
      %dma_wait3A_441 = arith.constant 0 : i32
      %dma_wait3A_442 = arith.constant 0 : i32
      %dma_wait3A_443 = tpu.memref_slice %arg7[%arg1, %run_scoped3A_66, %dma_wait3A_441, %dma_wait3A_442] : memref<16x2x160x128xf32, #tpu.memory_space<vmem_shared>> -> memref<1x1x160x128xf32, #tpu.memory_space<vmem_shared>>
      %dma_wait3A_444 = tpu.memref_squeeze %dma_wait3A_443 : memref<1x1x160x128xf32, #tpu.memory_space<vmem_shared>> -> memref<160x128xf32, #tpu.memory_space<vmem_shared>>
      %dma_wait3A_445 = arith.constant 0 : i32
      %dma_wait3A_446 = arith.constant 0 : i32
      %dma_wait3A_447 = tpu.memref_slice %arg7[%arg1, %run_scoped3A_66, %dma_wait3A_445, %dma_wait3A_446] : memref<16x2x160x128xf32, #tpu.memory_space<vmem_shared>> -> memref<1x1x160x128xf32, #tpu.memory_space<vmem_shared>>
      %dma_wait3A_448 = tpu.memref_squeeze %dma_wait3A_447 : memref<1x1x160x128xf32, #tpu.memory_space<vmem_shared>> -> memref<160x128xf32, #tpu.memory_space<vmem_shared>>
      %dma_wait3A_449 = arith.constant 0 : i32
      %dma_wait3A_450 = arith.constant 0 : i32
      %dma_wait3A_451 = tpu.memref_slice %arg6[%run_scoped3A, %dma_wait3A_449, %dma_wait3A_450] : memref<4x160x128xf32, #tpu.memory_space<vmem>> -> memref<1x160x128xf32, #tpu.memory_space<vmem>>
      %dma_wait3A_452 = tpu.memref_squeeze %dma_wait3A_451 : memref<1x160x128xf32, #tpu.memory_space<vmem>> -> memref<160x128xf32, #tpu.memory_space<vmem>>
      tpu.wait_dma2 semaphore(%run_scoped3A_420 : memref<!tpu.dma_semaphore, #tpu.memory_space<semaphore_mem>>) src(%dma_wait3A_452 : memref<160x128xf32, #tpu.memory_space<vmem>>) dst(%dma_wait3A_448 : memref<160x128xf32, #tpu.memory_space<vmem_shared>>)
      tpu.yield
    }) : () -> ()
    %dma_start3A_67 = arith.constant 0 : i32
    %dma_start3A_68 = arith.constant 0 : i32
    %dma_start3A_69 = arith.constant 0 : i32
    %dma_start3A_70 = arith.constant 0 : i32
    %dma_start3A_71 = tpu.memref_slice %arg6[%dma_start3A_67, %dma_start3A_69, %dma_start3A_70] : memref<4x160x128xf32, #tpu.memory_space<vmem>> -> memref<1x160x128xf32, #tpu.memory_space<vmem>>
    %dma_start3A_72 = tpu.memref_squeeze %dma_start3A_71 : memref<1x160x128xf32, #tpu.memory_space<vmem>> -> memref<160x128xf32, #tpu.memory_space<vmem>>
    %dma_start3A_73 = arith.constant 640 : i32
    %dma_start3A_74 = tpu.memref_slice %arg5[%dma_start3A_73] : memref<6400xi32, #tpu.memory_space<vmem>> -> memref<160xi32, #tpu.memory_space<vmem>>
    %dma_start3A_75 = arith.constant 0 : i32
    %dma_start3A_76 = arith.constant 0 : i32
    %dma_start3A_77 = tpu.memref_slice %arg2[%dma_start3A_75, %dma_start3A_76] : memref<100000x128xf32, #tpu.memory_space<hbm>> -> memref<100000x128xf32, #tpu.memory_space<hbm>>
    %dma_start3A_78 = tpu.memref_slice %arg8[%dma_start3A_68] : memref<4x!tpu.dma_semaphore, #tpu.memory_space<semaphore_mem>> -> memref<1x!tpu.dma_semaphore, #tpu.memory_space<semaphore_mem>>
    %dma_start3A_79 = tpu.memref_squeeze %dma_start3A_78 : memref<1x!tpu.dma_semaphore, #tpu.memory_space<semaphore_mem>> -> memref<!tpu.dma_semaphore, #tpu.memory_space<semaphore_mem>>
    tpu.enqueue_indirect_dma source(%dma_start3A_77 : memref<100000x128xf32, #tpu.memory_space<hbm>>) target(%dma_start3A_72 : memref<160x128xf32, #tpu.memory_space<vmem>>) offsets(%dma_start3A_74 : memref<160xi32, #tpu.memory_space<vmem>>) semaphore(%dma_start3A_79 : memref<!tpu.dma_semaphore, #tpu.memory_space<semaphore_mem>>)
    %add3A_80 = arith.constant 0 : i32
    %add3A_81 = arith.addi %mul3A_2, %add3A_80 : i32
    %dma_start3A_82 = arith.constant 0 : i32
    %dma_start3A_83 = arith.constant 0 : i32
    %dma_start3A_84 = tpu.memref_slice %arg9[%dma_start3A_83] : memref<2x!tpu.dma_semaphore, #tpu.memory_space<semaphore_mem>> -> memref<1x!tpu.dma_semaphore, #tpu.memory_space<semaphore_mem>>
    %dma_start3A_85 = tpu.memref_squeeze %dma_start3A_84 : memref<1x!tpu.dma_semaphore, #tpu.memory_space<semaphore_mem>> -> memref<!tpu.dma_semaphore, #tpu.memory_space<semaphore_mem>>
    %dma_start3A_86 = arith.constant 0 : i32
    %dma_start3A_87 = tpu.memref_slice %arg4[%add3A_81, %dma_start3A_86] : memref<204800x128xf32, #tpu.memory_space<hbm>> -> memref<160x128xf32, #tpu.memory_space<hbm>>
    %dma_start3A_88 = arith.constant 0 : i32
    %dma_start3A_89 = arith.constant 0 : i32
    %dma_start3A_90 = tpu.memref_slice %arg7[%arg1, %dma_start3A_82, %dma_start3A_88, %dma_start3A_89] : memref<16x2x160x128xf32, #tpu.memory_space<vmem_shared>> -> memref<1x1x160x128xf32, #tpu.memory_space<vmem_shared>>
    %dma_start3A_91 = tpu.memref_squeeze %dma_start3A_90 : memref<1x1x160x128xf32, #tpu.memory_space<vmem_shared>> -> memref<160x128xf32, #tpu.memory_space<vmem_shared>>
    tpu.enqueue_dma source(%dma_start3A_91 : memref<160x128xf32, #tpu.memory_space<vmem_shared>>) target(%dma_start3A_87 : memref<160x128xf32, #tpu.memory_space<hbm>>) target_semaphore(%dma_start3A_85 : memref<!tpu.dma_semaphore, #tpu.memory_space<semaphore_mem>>)
    %dma_wait3A_92 = arith.constant 1 : i32
    %dma_wait3A_93 = arith.constant 1 : i32
    %dma_wait3A_94 = arith.constant 0 : i32
    %dma_wait3A_95 = arith.constant 0 : i32
    %dma_wait3A_96 = tpu.memref_slice %arg6[%dma_wait3A_92, %dma_wait3A_94, %dma_wait3A_95] : memref<4x160x128xf32, #tpu.memory_space<vmem>> -> memref<1x160x128xf32, #tpu.memory_space<vmem>>
    %dma_wait3A_97 = tpu.memref_squeeze %dma_wait3A_96 : memref<1x160x128xf32, #tpu.memory_space<vmem>> -> memref<160x128xf32, #tpu.memory_space<vmem>>
    %dma_wait3A_98 = arith.constant 160 : i32
    %dma_wait3A_99 = tpu.memref_slice %arg5[%dma_wait3A_98] : memref<6400xi32, #tpu.memory_space<vmem>> -> memref<160xi32, #tpu.memory_space<vmem>>
    %dma_wait3A_100 = arith.constant 0 : i32
    %dma_wait3A_101 = arith.constant 0 : i32
    %dma_wait3A_102 = tpu.memref_slice %arg2[%dma_wait3A_100, %dma_wait3A_101] : memref<100000x128xf32, #tpu.memory_space<hbm>> -> memref<100000x128xf32, #tpu.memory_space<hbm>>
    %dma_wait3A_103 = tpu.memref_slice %arg8[%dma_wait3A_93] : memref<4x!tpu.dma_semaphore, #tpu.memory_space<semaphore_mem>> -> memref<1x!tpu.dma_semaphore, #tpu.memory_space<semaphore_mem>>
    %dma_wait3A_104 = tpu.memref_squeeze %dma_wait3A_103 : memref<1x!tpu.dma_semaphore, #tpu.memory_space<semaphore_mem>> -> memref<!tpu.dma_semaphore, #tpu.memory_space<semaphore_mem>>
    tpu.wait_indirect_dma semaphore(%dma_wait3A_104 : memref<!tpu.dma_semaphore, #tpu.memory_space<semaphore_mem>>) src(%dma_wait3A_102 : memref<100000x128xf32, #tpu.memory_space<hbm>>) dst(%dma_wait3A_97 : memref<160x128xf32, #tpu.memory_space<vmem>>)
    %run_scoped3A_105 = arith.constant 1 : i32
    %run_scoped3A_106 = arith.constant 1 : i32
    "tpu.region"() ({
      %run_scoped3A_420 = tpu.sem_alloc : memref<!tpu.dma_semaphore, #tpu.memory_space<semaphore_mem>>
      %dma_start3A_421 = arith.constant 0 : i32
      %dma_start3A_422 = arith.constant 0 : i32
      %dma_start3A_423 = tpu.memref_slice %arg6[%run_scoped3A_105, %dma_start3A_421, %dma_start3A_422] : memref<4x160x128xf32, #tpu.memory_space<vmem>> -> memref<1x160x128xf32, #tpu.memory_space<vmem>>
      %dma_start3A_424 = tpu.memref_squeeze %dma_start3A_423 : memref<1x160x128xf32, #tpu.memory_space<vmem>> -> memref<160x128xf32, #tpu.memory_space<vmem>>
      %dma_start3A_425 = arith.constant 0 : i32
      %dma_start3A_426 = arith.constant 0 : i32
      %dma_start3A_427 = tpu.memref_slice %arg7[%arg1, %run_scoped3A_106, %dma_start3A_425, %dma_start3A_426] : memref<16x2x160x128xf32, #tpu.memory_space<vmem_shared>> -> memref<1x1x160x128xf32, #tpu.memory_space<vmem_shared>>
      %dma_start3A_428 = tpu.memref_squeeze %dma_start3A_427 : memref<1x1x160x128xf32, #tpu.memory_space<vmem_shared>> -> memref<160x128xf32, #tpu.memory_space<vmem_shared>>
      %dma_start3A_429 = arith.constant 0 : i32
      %dma_start3A_430 = arith.constant 0 : i32
      %dma_start3A_431 = tpu.memref_slice %arg7[%arg1, %run_scoped3A_106, %dma_start3A_429, %dma_start3A_430] : memref<16x2x160x128xf32, #tpu.memory_space<vmem_shared>> -> memref<1x1x160x128xf32, #tpu.memory_space<vmem_shared>>
      %dma_start3A_432 = tpu.memref_squeeze %dma_start3A_431 : memref<1x1x160x128xf32, #tpu.memory_space<vmem_shared>> -> memref<160x128xf32, #tpu.memory_space<vmem_shared>>
      %dma_start3A_433 = arith.constant 0 : i32
      %dma_start3A_434 = arith.constant 0 : i32
      %dma_start3A_435 = tpu.memref_slice %arg6[%run_scoped3A_105, %dma_start3A_433, %dma_start3A_434] : memref<4x160x128xf32, #tpu.memory_space<vmem>> -> memref<1x160x128xf32, #tpu.memory_space<vmem>>
      %dma_start3A_436 = tpu.memref_squeeze %dma_start3A_435 : memref<1x160x128xf32, #tpu.memory_space<vmem>> -> memref<160x128xf32, #tpu.memory_space<vmem>>
      tpu.enqueue_dma source(%dma_start3A_436 : memref<160x128xf32, #tpu.memory_space<vmem>>) target(%dma_start3A_432 : memref<160x128xf32, #tpu.memory_space<vmem_shared>>) target_semaphore(%run_scoped3A_420 : memref<!tpu.dma_semaphore, #tpu.memory_space<semaphore_mem>>)
      %dma_wait3A_437 = arith.constant 0 : i32
      %dma_wait3A_438 = arith.constant 0 : i32
      %dma_wait3A_439 = tpu.memref_slice %arg6[%run_scoped3A_105, %dma_wait3A_437, %dma_wait3A_438] : memref<4x160x128xf32, #tpu.memory_space<vmem>> -> memref<1x160x128xf32, #tpu.memory_space<vmem>>
      %dma_wait3A_440 = tpu.memref_squeeze %dma_wait3A_439 : memref<1x160x128xf32, #tpu.memory_space<vmem>> -> memref<160x128xf32, #tpu.memory_space<vmem>>
      %dma_wait3A_441 = arith.constant 0 : i32
      %dma_wait3A_442 = arith.constant 0 : i32
      %dma_wait3A_443 = tpu.memref_slice %arg7[%arg1, %run_scoped3A_106, %dma_wait3A_441, %dma_wait3A_442] : memref<16x2x160x128xf32, #tpu.memory_space<vmem_shared>> -> memref<1x1x160x128xf32, #tpu.memory_space<vmem_shared>>
      %dma_wait3A_444 = tpu.memref_squeeze %dma_wait3A_443 : memref<1x1x160x128xf32, #tpu.memory_space<vmem_shared>> -> memref<160x128xf32, #tpu.memory_space<vmem_shared>>
      %dma_wait3A_445 = arith.constant 0 : i32
      %dma_wait3A_446 = arith.constant 0 : i32
      %dma_wait3A_447 = tpu.memref_slice %arg7[%arg1, %run_scoped3A_106, %dma_wait3A_445, %dma_wait3A_446] : memref<16x2x160x128xf32, #tpu.memory_space<vmem_shared>> -> memref<1x1x160x128xf32, #tpu.memory_space<vmem_shared>>
      %dma_wait3A_448 = tpu.memref_squeeze %dma_wait3A_447 : memref<1x1x160x128xf32, #tpu.memory_space<vmem_shared>> -> memref<160x128xf32, #tpu.memory_space<vmem_shared>>
      %dma_wait3A_449 = arith.constant 0 : i32
      %dma_wait3A_450 = arith.constant 0 : i32
      %dma_wait3A_451 = tpu.memref_slice %arg6[%run_scoped3A_105, %dma_wait3A_449, %dma_wait3A_450] : memref<4x160x128xf32, #tpu.memory_space<vmem>> -> memref<1x160x128xf32, #tpu.memory_space<vmem>>
      %dma_wait3A_452 = tpu.memref_squeeze %dma_wait3A_451 : memref<1x160x128xf32, #tpu.memory_space<vmem>> -> memref<160x128xf32, #tpu.memory_space<vmem>>
      tpu.wait_dma2 semaphore(%run_scoped3A_420 : memref<!tpu.dma_semaphore, #tpu.memory_space<semaphore_mem>>) src(%dma_wait3A_452 : memref<160x128xf32, #tpu.memory_space<vmem>>) dst(%dma_wait3A_448 : memref<160x128xf32, #tpu.memory_space<vmem_shared>>)
      tpu.yield
    }) : () -> ()
    %dma_start3A_107 = arith.constant 1 : i32
    %dma_start3A_108 = arith.constant 1 : i32
    %dma_start3A_109 = arith.constant 0 : i32
    %dma_start3A_110 = arith.constant 0 : i32
    %dma_start3A_111 = tpu.memref_slice %arg6[%dma_start3A_107, %dma_start3A_109, %dma_start3A_110] : memref<4x160x128xf32, #tpu.memory_space<vmem>> -> memref<1x160x128xf32, #tpu.memory_space<vmem>>
    %dma_start3A_112 = tpu.memref_squeeze %dma_start3A_111 : memref<1x160x128xf32, #tpu.memory_space<vmem>> -> memref<160x128xf32, #tpu.memory_space<vmem>>
    %dma_start3A_113 = arith.constant 800 : i32
    %dma_start3A_114 = tpu.memref_slice %arg5[%dma_start3A_113] : memref<6400xi32, #tpu.memory_space<vmem>> -> memref<160xi32, #tpu.memory_space<vmem>>
    %dma_start3A_115 = arith.constant 0 : i32
    %dma_start3A_116 = arith.constant 0 : i32
    %dma_start3A_117 = tpu.memref_slice %arg2[%dma_start3A_115, %dma_start3A_116] : memref<100000x128xf32, #tpu.memory_space<hbm>> -> memref<100000x128xf32, #tpu.memory_space<hbm>>
    %dma_start3A_118 = tpu.memref_slice %arg8[%dma_start3A_108] : memref<4x!tpu.dma_semaphore, #tpu.memory_space<semaphore_mem>> -> memref<1x!tpu.dma_semaphore, #tpu.memory_space<semaphore_mem>>
    %dma_start3A_119 = tpu.memref_squeeze %dma_start3A_118 : memref<1x!tpu.dma_semaphore, #tpu.memory_space<semaphore_mem>> -> memref<!tpu.dma_semaphore, #tpu.memory_space<semaphore_mem>>
    tpu.enqueue_indirect_dma source(%dma_start3A_117 : memref<100000x128xf32, #tpu.memory_space<hbm>>) target(%dma_start3A_112 : memref<160x128xf32, #tpu.memory_space<vmem>>) offsets(%dma_start3A_114 : memref<160xi32, #tpu.memory_space<vmem>>) semaphore(%dma_start3A_119 : memref<!tpu.dma_semaphore, #tpu.memory_space<semaphore_mem>>)
    %add3A_120 = arith.constant 160 : i32
    %add3A_121 = arith.addi %mul3A_2, %add3A_120 : i32
    %dma_start3A_122 = arith.constant 1 : i32
    %dma_start3A_123 = arith.constant 1 : i32
    %dma_start3A_124 = tpu.memref_slice %arg9[%dma_start3A_123] : memref<2x!tpu.dma_semaphore, #tpu.memory_space<semaphore_mem>> -> memref<1x!tpu.dma_semaphore, #tpu.memory_space<semaphore_mem>>
    %dma_start3A_125 = tpu.memref_squeeze %dma_start3A_124 : memref<1x!tpu.dma_semaphore, #tpu.memory_space<semaphore_mem>> -> memref<!tpu.dma_semaphore, #tpu.memory_space<semaphore_mem>>
    %dma_start3A_126 = arith.constant 0 : i32
    %dma_start3A_127 = tpu.memref_slice %arg4[%add3A_121, %dma_start3A_126] : memref<204800x128xf32, #tpu.memory_space<hbm>> -> memref<160x128xf32, #tpu.memory_space<hbm>>
    %dma_start3A_128 = arith.constant 0 : i32
    %dma_start3A_129 = arith.constant 0 : i32
    %dma_start3A_130 = tpu.memref_slice %arg7[%arg1, %dma_start3A_122, %dma_start3A_128, %dma_start3A_129] : memref<16x2x160x128xf32, #tpu.memory_space<vmem_shared>> -> memref<1x1x160x128xf32, #tpu.memory_space<vmem_shared>>
    %dma_start3A_131 = tpu.memref_squeeze %dma_start3A_130 : memref<1x1x160x128xf32, #tpu.memory_space<vmem_shared>> -> memref<160x128xf32, #tpu.memory_space<vmem_shared>>
    tpu.enqueue_dma source(%dma_start3A_131 : memref<160x128xf32, #tpu.memory_space<vmem_shared>>) target(%dma_start3A_127 : memref<160x128xf32, #tpu.memory_space<hbm>>) target_semaphore(%dma_start3A_125 : memref<!tpu.dma_semaphore, #tpu.memory_space<semaphore_mem>>)
    %dma_wait3A_132 = arith.constant 2 : i32
    %dma_wait3A_133 = arith.constant 2 : i32
    %dma_wait3A_134 = arith.constant 0 : i32
    %dma_wait3A_135 = arith.constant 0 : i32
    %dma_wait3A_136 = tpu.memref_slice %arg6[%dma_wait3A_132, %dma_wait3A_134, %dma_wait3A_135] : memref<4x160x128xf32, #tpu.memory_space<vmem>> -> memref<1x160x128xf32, #tpu.memory_space<vmem>>
    %dma_wait3A_137 = tpu.memref_squeeze %dma_wait3A_136 : memref<1x160x128xf32, #tpu.memory_space<vmem>> -> memref<160x128xf32, #tpu.memory_space<vmem>>
    %dma_wait3A_138 = arith.constant 320 : i32
    %dma_wait3A_139 = tpu.memref_slice %arg5[%dma_wait3A_138] : memref<6400xi32, #tpu.memory_space<vmem>> -> memref<160xi32, #tpu.memory_space<vmem>>
    %dma_wait3A_140 = arith.constant 0 : i32
    %dma_wait3A_141 = arith.constant 0 : i32
    %dma_wait3A_142 = tpu.memref_slice %arg2[%dma_wait3A_140, %dma_wait3A_141] : memref<100000x128xf32, #tpu.memory_space<hbm>> -> memref<100000x128xf32, #tpu.memory_space<hbm>>
    %dma_wait3A_143 = tpu.memref_slice %arg8[%dma_wait3A_133] : memref<4x!tpu.dma_semaphore, #tpu.memory_space<semaphore_mem>> -> memref<1x!tpu.dma_semaphore, #tpu.memory_space<semaphore_mem>>
    %dma_wait3A_144 = tpu.memref_squeeze %dma_wait3A_143 : memref<1x!tpu.dma_semaphore, #tpu.memory_space<semaphore_mem>> -> memref<!tpu.dma_semaphore, #tpu.memory_space<semaphore_mem>>
    tpu.wait_indirect_dma semaphore(%dma_wait3A_144 : memref<!tpu.dma_semaphore, #tpu.memory_space<semaphore_mem>>) src(%dma_wait3A_142 : memref<100000x128xf32, #tpu.memory_space<hbm>>) dst(%dma_wait3A_137 : memref<160x128xf32, #tpu.memory_space<vmem>>)
    %add3A_145 = arith.constant 0 : i32
    %add3A_146 = arith.addi %mul3A_2, %add3A_145 : i32
    %dma_wait3A_147 = arith.constant 0 : i32
    %dma_wait3A_148 = arith.constant 0 : i32
    %dma_wait3A_149 = tpu.memref_slice %arg9[%dma_wait3A_148] : memref<2x!tpu.dma_semaphore, #tpu.memory_space<semaphore_mem>> -> memref<1x!tpu.dma_semaphore, #tpu.memory_space<semaphore_mem>>
    %dma_wait3A_150 = tpu.memref_squeeze %dma_wait3A_149 : memref<1x!tpu.dma_semaphore, #tpu.memory_space<semaphore_mem>> -> memref<!tpu.dma_semaphore, #tpu.memory_space<semaphore_mem>>
    %dma_wait3A_151 = arith.constant 0 : i32
    %dma_wait3A_152 = tpu.memref_slice %arg4[%add3A_146, %dma_wait3A_151] : memref<204800x128xf32, #tpu.memory_space<hbm>> -> memref<160x128xf32, #tpu.memory_space<hbm>>
    %dma_wait3A_153 = arith.constant 0 : i32
    %dma_wait3A_154 = arith.constant 0 : i32
    %dma_wait3A_155 = tpu.memref_slice %arg7[%arg1, %dma_wait3A_147, %dma_wait3A_153, %dma_wait3A_154] : memref<16x2x160x128xf32, #tpu.memory_space<vmem_shared>> -> memref<1x1x160x128xf32, #tpu.memory_space<vmem_shared>>
    %dma_wait3A_156 = tpu.memref_squeeze %dma_wait3A_155 : memref<1x1x160x128xf32, #tpu.memory_space<vmem_shared>> -> memref<160x128xf32, #tpu.memory_space<vmem_shared>>
    tpu.wait_dma2 semaphore(%dma_wait3A_150 : memref<!tpu.dma_semaphore, #tpu.memory_space<semaphore_mem>>) src(%dma_wait3A_156 : memref<160x128xf32, #tpu.memory_space<vmem_shared>>) dst(%dma_wait3A_152 : memref<160x128xf32, #tpu.memory_space<hbm>>)
    %run_scoped3A_157 = arith.constant 2 : i32
    %run_scoped3A_158 = arith.constant 0 : i32
    "tpu.region"() ({
      %run_scoped3A_420 = tpu.sem_alloc : memref<!tpu.dma_semaphore, #tpu.memory_space<semaphore_mem>>
      %dma_start3A_421 = arith.constant 0 : i32
      %dma_start3A_422 = arith.constant 0 : i32
      %dma_start3A_423 = tpu.memref_slice %arg6[%run_scoped3A_157, %dma_start3A_421, %dma_start3A_422] : memref<4x160x128xf32, #tpu.memory_space<vmem>> -> memref<1x160x128xf32, #tpu.memory_space<vmem>>
      %dma_start3A_424 = tpu.memref_squeeze %dma_start3A_423 : memref<1x160x128xf32, #tpu.memory_space<vmem>> -> memref<160x128xf32, #tpu.memory_space<vmem>>
      %dma_start3A_425 = arith.constant 0 : i32
      %dma_start3A_426 = arith.constant 0 : i32
      %dma_start3A_427 = tpu.memref_slice %arg7[%arg1, %run_scoped3A_158, %dma_start3A_425, %dma_start3A_426] : memref<16x2x160x128xf32, #tpu.memory_space<vmem_shared>> -> memref<1x1x160x128xf32, #tpu.memory_space<vmem_shared>>
      %dma_start3A_428 = tpu.memref_squeeze %dma_start3A_427 : memref<1x1x160x128xf32, #tpu.memory_space<vmem_shared>> -> memref<160x128xf32, #tpu.memory_space<vmem_shared>>
      %dma_start3A_429 = arith.constant 0 : i32
      %dma_start3A_430 = arith.constant 0 : i32
      %dma_start3A_431 = tpu.memref_slice %arg7[%arg1, %run_scoped3A_158, %dma_start3A_429, %dma_start3A_430] : memref<16x2x160x128xf32, #tpu.memory_space<vmem_shared>> -> memref<1x1x160x128xf32, #tpu.memory_space<vmem_shared>>
      %dma_start3A_432 = tpu.memref_squeeze %dma_start3A_431 : memref<1x1x160x128xf32, #tpu.memory_space<vmem_shared>> -> memref<160x128xf32, #tpu.memory_space<vmem_shared>>
      %dma_start3A_433 = arith.constant 0 : i32
      %dma_start3A_434 = arith.constant 0 : i32
      %dma_start3A_435 = tpu.memref_slice %arg6[%run_scoped3A_157, %dma_start3A_433, %dma_start3A_434] : memref<4x160x128xf32, #tpu.memory_space<vmem>> -> memref<1x160x128xf32, #tpu.memory_space<vmem>>
      %dma_start3A_436 = tpu.memref_squeeze %dma_start3A_435 : memref<1x160x128xf32, #tpu.memory_space<vmem>> -> memref<160x128xf32, #tpu.memory_space<vmem>>
      tpu.enqueue_dma source(%dma_start3A_436 : memref<160x128xf32, #tpu.memory_space<vmem>>) target(%dma_start3A_432 : memref<160x128xf32, #tpu.memory_space<vmem_shared>>) target_semaphore(%run_scoped3A_420 : memref<!tpu.dma_semaphore, #tpu.memory_space<semaphore_mem>>)
      %dma_wait3A_437 = arith.constant 0 : i32
      %dma_wait3A_438 = arith.constant 0 : i32
      %dma_wait3A_439 = tpu.memref_slice %arg6[%run_scoped3A_157, %dma_wait3A_437, %dma_wait3A_438] : memref<4x160x128xf32, #tpu.memory_space<vmem>> -> memref<1x160x128xf32, #tpu.memory_space<vmem>>
      %dma_wait3A_440 = tpu.memref_squeeze %dma_wait3A_439 : memref<1x160x128xf32, #tpu.memory_space<vmem>> -> memref<160x128xf32, #tpu.memory_space<vmem>>
      %dma_wait3A_441 = arith.constant 0 : i32
      %dma_wait3A_442 = arith.constant 0 : i32
      %dma_wait3A_443 = tpu.memref_slice %arg7[%arg1, %run_scoped3A_158, %dma_wait3A_441, %dma_wait3A_442] : memref<16x2x160x128xf32, #tpu.memory_space<vmem_shared>> -> memref<1x1x160x128xf32, #tpu.memory_space<vmem_shared>>
      %dma_wait3A_444 = tpu.memref_squeeze %dma_wait3A_443 : memref<1x1x160x128xf32, #tpu.memory_space<vmem_shared>> -> memref<160x128xf32, #tpu.memory_space<vmem_shared>>
      %dma_wait3A_445 = arith.constant 0 : i32
      %dma_wait3A_446 = arith.constant 0 : i32
      %dma_wait3A_447 = tpu.memref_slice %arg7[%arg1, %run_scoped3A_158, %dma_wait3A_445, %dma_wait3A_446] : memref<16x2x160x128xf32, #tpu.memory_space<vmem_shared>> -> memref<1x1x160x128xf32, #tpu.memory_space<vmem_shared>>
      %dma_wait3A_448 = tpu.memref_squeeze %dma_wait3A_447 : memref<1x1x160x128xf32, #tpu.memory_space<vmem_shared>> -> memref<160x128xf32, #tpu.memory_space<vmem_shared>>
      %dma_wait3A_449 = arith.constant 0 : i32
      %dma_wait3A_450 = arith.constant 0 : i32
      %dma_wait3A_451 = tpu.memref_slice %arg6[%run_scoped3A_157, %dma_wait3A_449, %dma_wait3A_450] : memref<4x160x128xf32, #tpu.memory_space<vmem>> -> memref<1x160x128xf32, #tpu.memory_space<vmem>>
      %dma_wait3A_452 = tpu.memref_squeeze %dma_wait3A_451 : memref<1x160x128xf32, #tpu.memory_space<vmem>> -> memref<160x128xf32, #tpu.memory_space<vmem>>
      tpu.wait_dma2 semaphore(%run_scoped3A_420 : memref<!tpu.dma_semaphore, #tpu.memory_space<semaphore_mem>>) src(%dma_wait3A_452 : memref<160x128xf32, #tpu.memory_space<vmem>>) dst(%dma_wait3A_448 : memref<160x128xf32, #tpu.memory_space<vmem_shared>>)
      tpu.yield
    }) : () -> ()
    %dma_start3A_159 = arith.constant 2 : i32
    %dma_start3A_160 = arith.constant 2 : i32
    %dma_start3A_161 = arith.constant 0 : i32
    %dma_start3A_162 = arith.constant 0 : i32
    %dma_start3A_163 = tpu.memref_slice %arg6[%dma_start3A_159, %dma_start3A_161, %dma_start3A_162] : memref<4x160x128xf32, #tpu.memory_space<vmem>> -> memref<1x160x128xf32, #tpu.memory_space<vmem>>
    %dma_start3A_164 = tpu.memref_squeeze %dma_start3A_163 : memref<1x160x128xf32, #tpu.memory_space<vmem>> -> memref<160x128xf32, #tpu.memory_space<vmem>>
    %dma_start3A_165 = arith.constant 960 : i32
    %dma_start3A_166 = tpu.memref_slice %arg5[%dma_start3A_165] : memref<6400xi32, #tpu.memory_space<vmem>> -> memref<160xi32, #tpu.memory_space<vmem>>
    %dma_start3A_167 = arith.constant 0 : i32
    %dma_start3A_168 = arith.constant 0 : i32
    %dma_start3A_169 = tpu.memref_slice %arg2[%dma_start3A_167, %dma_start3A_168] : memref<100000x128xf32, #tpu.memory_space<hbm>> -> memref<100000x128xf32, #tpu.memory_space<hbm>>
    %dma_start3A_170 = tpu.memref_slice %arg8[%dma_start3A_160] : memref<4x!tpu.dma_semaphore, #tpu.memory_space<semaphore_mem>> -> memref<1x!tpu.dma_semaphore, #tpu.memory_space<semaphore_mem>>
    %dma_start3A_171 = tpu.memref_squeeze %dma_start3A_170 : memref<1x!tpu.dma_semaphore, #tpu.memory_space<semaphore_mem>> -> memref<!tpu.dma_semaphore, #tpu.memory_space<semaphore_mem>>
    tpu.enqueue_indirect_dma source(%dma_start3A_169 : memref<100000x128xf32, #tpu.memory_space<hbm>>) target(%dma_start3A_164 : memref<160x128xf32, #tpu.memory_space<vmem>>) offsets(%dma_start3A_166 : memref<160xi32, #tpu.memory_space<vmem>>) semaphore(%dma_start3A_171 : memref<!tpu.dma_semaphore, #tpu.memory_space<semaphore_mem>>)
    %add3A_172 = arith.constant 320 : i32
    %add3A_173 = arith.addi %mul3A_2, %add3A_172 : i32
    %dma_start3A_174 = arith.constant 0 : i32
    %dma_start3A_175 = arith.constant 0 : i32
    %dma_start3A_176 = tpu.memref_slice %arg9[%dma_start3A_175] : memref<2x!tpu.dma_semaphore, #tpu.memory_space<semaphore_mem>> -> memref<1x!tpu.dma_semaphore, #tpu.memory_space<semaphore_mem>>
    %dma_start3A_177 = tpu.memref_squeeze %dma_start3A_176 : memref<1x!tpu.dma_semaphore, #tpu.memory_space<semaphore_mem>> -> memref<!tpu.dma_semaphore, #tpu.memory_space<semaphore_mem>>
    %dma_start3A_178 = arith.constant 0 : i32
    %dma_start3A_179 = tpu.memref_slice %arg4[%add3A_173, %dma_start3A_178] : memref<204800x128xf32, #tpu.memory_space<hbm>> -> memref<160x128xf32, #tpu.memory_space<hbm>>
    %dma_start3A_180 = arith.constant 0 : i32
    %dma_start3A_181 = arith.constant 0 : i32
    %dma_start3A_182 = tpu.memref_slice %arg7[%arg1, %dma_start3A_174, %dma_start3A_180, %dma_start3A_181] : memref<16x2x160x128xf32, #tpu.memory_space<vmem_shared>> -> memref<1x1x160x128xf32, #tpu.memory_space<vmem_shared>>
    %dma_start3A_183 = tpu.memref_squeeze %dma_start3A_182 : memref<1x1x160x128xf32, #tpu.memory_space<vmem_shared>> -> memref<160x128xf32, #tpu.memory_space<vmem_shared>>
    tpu.enqueue_dma source(%dma_start3A_183 : memref<160x128xf32, #tpu.memory_space<vmem_shared>>) target(%dma_start3A_179 : memref<160x128xf32, #tpu.memory_space<hbm>>) target_semaphore(%dma_start3A_177 : memref<!tpu.dma_semaphore, #tpu.memory_space<semaphore_mem>>)
    %dma_wait3A_184 = arith.constant 3 : i32
    %dma_wait3A_185 = arith.constant 3 : i32
    %dma_wait3A_186 = arith.constant 0 : i32
    %dma_wait3A_187 = arith.constant 0 : i32
    %dma_wait3A_188 = tpu.memref_slice %arg6[%dma_wait3A_184, %dma_wait3A_186, %dma_wait3A_187] : memref<4x160x128xf32, #tpu.memory_space<vmem>> -> memref<1x160x128xf32, #tpu.memory_space<vmem>>
    %dma_wait3A_189 = tpu.memref_squeeze %dma_wait3A_188 : memref<1x160x128xf32, #tpu.memory_space<vmem>> -> memref<160x128xf32, #tpu.memory_space<vmem>>
    %dma_wait3A_190 = arith.constant 480 : i32
    %dma_wait3A_191 = tpu.memref_slice %arg5[%dma_wait3A_190] : memref<6400xi32, #tpu.memory_space<vmem>> -> memref<160xi32, #tpu.memory_space<vmem>>
    %dma_wait3A_192 = arith.constant 0 : i32
    %dma_wait3A_193 = arith.constant 0 : i32
    %dma_wait3A_194 = tpu.memref_slice %arg2[%dma_wait3A_192, %dma_wait3A_193] : memref<100000x128xf32, #tpu.memory_space<hbm>> -> memref<100000x128xf32, #tpu.memory_space<hbm>>
    %dma_wait3A_195 = tpu.memref_slice %arg8[%dma_wait3A_185] : memref<4x!tpu.dma_semaphore, #tpu.memory_space<semaphore_mem>> -> memref<1x!tpu.dma_semaphore, #tpu.memory_space<semaphore_mem>>
    %dma_wait3A_196 = tpu.memref_squeeze %dma_wait3A_195 : memref<1x!tpu.dma_semaphore, #tpu.memory_space<semaphore_mem>> -> memref<!tpu.dma_semaphore, #tpu.memory_space<semaphore_mem>>
    tpu.wait_indirect_dma semaphore(%dma_wait3A_196 : memref<!tpu.dma_semaphore, #tpu.memory_space<semaphore_mem>>) src(%dma_wait3A_194 : memref<100000x128xf32, #tpu.memory_space<hbm>>) dst(%dma_wait3A_189 : memref<160x128xf32, #tpu.memory_space<vmem>>)
    %add3A_197 = arith.constant 160 : i32
    %add3A_198 = arith.addi %mul3A_2, %add3A_197 : i32
    %dma_wait3A_199 = arith.constant 1 : i32
    %dma_wait3A_200 = arith.constant 1 : i32
    %dma_wait3A_201 = tpu.memref_slice %arg9[%dma_wait3A_200] : memref<2x!tpu.dma_semaphore, #tpu.memory_space<semaphore_mem>> -> memref<1x!tpu.dma_semaphore, #tpu.memory_space<semaphore_mem>>
    %dma_wait3A_202 = tpu.memref_squeeze %dma_wait3A_201 : memref<1x!tpu.dma_semaphore, #tpu.memory_space<semaphore_mem>> -> memref<!tpu.dma_semaphore, #tpu.memory_space<semaphore_mem>>
    %dma_wait3A_203 = arith.constant 0 : i32
    %dma_wait3A_204 = tpu.memref_slice %arg4[%add3A_198, %dma_wait3A_203] : memref<204800x128xf32, #tpu.memory_space<hbm>> -> memref<160x128xf32, #tpu.memory_space<hbm>>
    %dma_wait3A_205 = arith.constant 0 : i32
    %dma_wait3A_206 = arith.constant 0 : i32
    %dma_wait3A_207 = tpu.memref_slice %arg7[%arg1, %dma_wait3A_199, %dma_wait3A_205, %dma_wait3A_206] : memref<16x2x160x128xf32, #tpu.memory_space<vmem_shared>> -> memref<1x1x160x128xf32, #tpu.memory_space<vmem_shared>>
    %dma_wait3A_208 = tpu.memref_squeeze %dma_wait3A_207 : memref<1x1x160x128xf32, #tpu.memory_space<vmem_shared>> -> memref<160x128xf32, #tpu.memory_space<vmem_shared>>
    tpu.wait_dma2 semaphore(%dma_wait3A_202 : memref<!tpu.dma_semaphore, #tpu.memory_space<semaphore_mem>>) src(%dma_wait3A_208 : memref<160x128xf32, #tpu.memory_space<vmem_shared>>) dst(%dma_wait3A_204 : memref<160x128xf32, #tpu.memory_space<hbm>>)
    %run_scoped3A_209 = arith.constant 3 : i32
    %run_scoped3A_210 = arith.constant 1 : i32
    "tpu.region"() ({
      %run_scoped3A_420 = tpu.sem_alloc : memref<!tpu.dma_semaphore, #tpu.memory_space<semaphore_mem>>
      %dma_start3A_421 = arith.constant 0 : i32
      %dma_start3A_422 = arith.constant 0 : i32
      %dma_start3A_423 = tpu.memref_slice %arg6[%run_scoped3A_209, %dma_start3A_421, %dma_start3A_422] : memref<4x160x128xf32, #tpu.memory_space<vmem>> -> memref<1x160x128xf32, #tpu.memory_space<vmem>>
      %dma_start3A_424 = tpu.memref_squeeze %dma_start3A_423 : memref<1x160x128xf32, #tpu.memory_space<vmem>> -> memref<160x128xf32, #tpu.memory_space<vmem>>
      %dma_start3A_425 = arith.constant 0 : i32
      %dma_start3A_426 = arith.constant 0 : i32
      %dma_start3A_427 = tpu.memref_slice %arg7[%arg1, %run_scoped3A_210, %dma_start3A_425, %dma_start3A_426] : memref<16x2x160x128xf32, #tpu.memory_space<vmem_shared>> -> memref<1x1x160x128xf32, #tpu.memory_space<vmem_shared>>
      %dma_start3A_428 = tpu.memref_squeeze %dma_start3A_427 : memref<1x1x160x128xf32, #tpu.memory_space<vmem_shared>> -> memref<160x128xf32, #tpu.memory_space<vmem_shared>>
      %dma_start3A_429 = arith.constant 0 : i32
      %dma_start3A_430 = arith.constant 0 : i32
      %dma_start3A_431 = tpu.memref_slice %arg7[%arg1, %run_scoped3A_210, %dma_start3A_429, %dma_start3A_430] : memref<16x2x160x128xf32, #tpu.memory_space<vmem_shared>> -> memref<1x1x160x128xf32, #tpu.memory_space<vmem_shared>>
      %dma_start3A_432 = tpu.memref_squeeze %dma_start3A_431 : memref<1x1x160x128xf32, #tpu.memory_space<vmem_shared>> -> memref<160x128xf32, #tpu.memory_space<vmem_shared>>
      %dma_start3A_433 = arith.constant 0 : i32
      %dma_start3A_434 = arith.constant 0 : i32
      %dma_start3A_435 = tpu.memref_slice %arg6[%run_scoped3A_209, %dma_start3A_433, %dma_start3A_434] : memref<4x160x128xf32, #tpu.memory_space<vmem>> -> memref<1x160x128xf32, #tpu.memory_space<vmem>>
      %dma_start3A_436 = tpu.memref_squeeze %dma_start3A_435 : memref<1x160x128xf32, #tpu.memory_space<vmem>> -> memref<160x128xf32, #tpu.memory_space<vmem>>
      tpu.enqueue_dma source(%dma_start3A_436 : memref<160x128xf32, #tpu.memory_space<vmem>>) target(%dma_start3A_432 : memref<160x128xf32, #tpu.memory_space<vmem_shared>>) target_semaphore(%run_scoped3A_420 : memref<!tpu.dma_semaphore, #tpu.memory_space<semaphore_mem>>)
      %dma_wait3A_437 = arith.constant 0 : i32
      %dma_wait3A_438 = arith.constant 0 : i32
      %dma_wait3A_439 = tpu.memref_slice %arg6[%run_scoped3A_209, %dma_wait3A_437, %dma_wait3A_438] : memref<4x160x128xf32, #tpu.memory_space<vmem>> -> memref<1x160x128xf32, #tpu.memory_space<vmem>>
      %dma_wait3A_440 = tpu.memref_squeeze %dma_wait3A_439 : memref<1x160x128xf32, #tpu.memory_space<vmem>> -> memref<160x128xf32, #tpu.memory_space<vmem>>
      %dma_wait3A_441 = arith.constant 0 : i32
      %dma_wait3A_442 = arith.constant 0 : i32
      %dma_wait3A_443 = tpu.memref_slice %arg7[%arg1, %run_scoped3A_210, %dma_wait3A_441, %dma_wait3A_442] : memref<16x2x160x128xf32, #tpu.memory_space<vmem_shared>> -> memref<1x1x160x128xf32, #tpu.memory_space<vmem_shared>>
      %dma_wait3A_444 = tpu.memref_squeeze %dma_wait3A_443 : memref<1x1x160x128xf32, #tpu.memory_space<vmem_shared>> -> memref<160x128xf32, #tpu.memory_space<vmem_shared>>
      %dma_wait3A_445 = arith.constant 0 : i32
      %dma_wait3A_446 = arith.constant 0 : i32
      %dma_wait3A_447 = tpu.memref_slice %arg7[%arg1, %run_scoped3A_210, %dma_wait3A_445, %dma_wait3A_446] : memref<16x2x160x128xf32, #tpu.memory_space<vmem_shared>> -> memref<1x1x160x128xf32, #tpu.memory_space<vmem_shared>>
      %dma_wait3A_448 = tpu.memref_squeeze %dma_wait3A_447 : memref<1x1x160x128xf32, #tpu.memory_space<vmem_shared>> -> memref<160x128xf32, #tpu.memory_space<vmem_shared>>
      %dma_wait3A_449 = arith.constant 0 : i32
      %dma_wait3A_450 = arith.constant 0 : i32
      %dma_wait3A_451 = tpu.memref_slice %arg6[%run_scoped3A_209, %dma_wait3A_449, %dma_wait3A_450] : memref<4x160x128xf32, #tpu.memory_space<vmem>> -> memref<1x160x128xf32, #tpu.memory_space<vmem>>
      %dma_wait3A_452 = tpu.memref_squeeze %dma_wait3A_451 : memref<1x160x128xf32, #tpu.memory_space<vmem>> -> memref<160x128xf32, #tpu.memory_space<vmem>>
      tpu.wait_dma2 semaphore(%run_scoped3A_420 : memref<!tpu.dma_semaphore, #tpu.memory_space<semaphore_mem>>) src(%dma_wait3A_452 : memref<160x128xf32, #tpu.memory_space<vmem>>) dst(%dma_wait3A_448 : memref<160x128xf32, #tpu.memory_space<vmem_shared>>)
      tpu.yield
    }) : () -> ()
    %dma_start3A_211 = arith.constant 3 : i32
    %dma_start3A_212 = arith.constant 3 : i32
    %dma_start3A_213 = arith.constant 0 : i32
    %dma_start3A_214 = arith.constant 0 : i32
    %dma_start3A_215 = tpu.memref_slice %arg6[%dma_start3A_211, %dma_start3A_213, %dma_start3A_214] : memref<4x160x128xf32, #tpu.memory_space<vmem>> -> memref<1x160x128xf32, #tpu.memory_space<vmem>>
    %dma_start3A_216 = tpu.memref_squeeze %dma_start3A_215 : memref<1x160x128xf32, #tpu.memory_space<vmem>> -> memref<160x128xf32, #tpu.memory_space<vmem>>
    %dma_start3A_217 = arith.constant 1120 : i32
    %dma_start3A_218 = tpu.memref_slice %arg5[%dma_start3A_217] : memref<6400xi32, #tpu.memory_space<vmem>> -> memref<160xi32, #tpu.memory_space<vmem>>
    %dma_start3A_219 = arith.constant 0 : i32
    %dma_start3A_220 = arith.constant 0 : i32
    %dma_start3A_221 = tpu.memref_slice %arg2[%dma_start3A_219, %dma_start3A_220] : memref<100000x128xf32, #tpu.memory_space<hbm>> -> memref<100000x128xf32, #tpu.memory_space<hbm>>
    %dma_start3A_222 = tpu.memref_slice %arg8[%dma_start3A_212] : memref<4x!tpu.dma_semaphore, #tpu.memory_space<semaphore_mem>> -> memref<1x!tpu.dma_semaphore, #tpu.memory_space<semaphore_mem>>
    %dma_start3A_223 = tpu.memref_squeeze %dma_start3A_222 : memref<1x!tpu.dma_semaphore, #tpu.memory_space<semaphore_mem>> -> memref<!tpu.dma_semaphore, #tpu.memory_space<semaphore_mem>>
    tpu.enqueue_indirect_dma source(%dma_start3A_221 : memref<100000x128xf32, #tpu.memory_space<hbm>>) target(%dma_start3A_216 : memref<160x128xf32, #tpu.memory_space<vmem>>) offsets(%dma_start3A_218 : memref<160xi32, #tpu.memory_space<vmem>>) semaphore(%dma_start3A_223 : memref<!tpu.dma_semaphore, #tpu.memory_space<semaphore_mem>>)
    %add3A_224 = arith.constant 480 : i32
    %add3A_225 = arith.addi %mul3A_2, %add3A_224 : i32
    %dma_start3A_226 = arith.constant 1 : i32
    %dma_start3A_227 = arith.constant 1 : i32
    %dma_start3A_228 = tpu.memref_slice %arg9[%dma_start3A_227] : memref<2x!tpu.dma_semaphore, #tpu.memory_space<semaphore_mem>> -> memref<1x!tpu.dma_semaphore, #tpu.memory_space<semaphore_mem>>
    %dma_start3A_229 = tpu.memref_squeeze %dma_start3A_228 : memref<1x!tpu.dma_semaphore, #tpu.memory_space<semaphore_mem>> -> memref<!tpu.dma_semaphore, #tpu.memory_space<semaphore_mem>>
    %dma_start3A_230 = arith.constant 0 : i32
    %dma_start3A_231 = tpu.memref_slice %arg4[%add3A_225, %dma_start3A_230] : memref<204800x128xf32, #tpu.memory_space<hbm>> -> memref<160x128xf32, #tpu.memory_space<hbm>>
    %dma_start3A_232 = arith.constant 0 : i32
    %dma_start3A_233 = arith.constant 0 : i32
    %dma_start3A_234 = tpu.memref_slice %arg7[%arg1, %dma_start3A_226, %dma_start3A_232, %dma_start3A_233] : memref<16x2x160x128xf32, #tpu.memory_space<vmem_shared>> -> memref<1x1x160x128xf32, #tpu.memory_space<vmem_shared>>
    %dma_start3A_235 = tpu.memref_squeeze %dma_start3A_234 : memref<1x1x160x128xf32, #tpu.memory_space<vmem_shared>> -> memref<160x128xf32, #tpu.memory_space<vmem_shared>>
    tpu.enqueue_dma source(%dma_start3A_235 : memref<160x128xf32, #tpu.memory_space<vmem_shared>>) target(%dma_start3A_231 : memref<160x128xf32, #tpu.memory_space<hbm>>) target_semaphore(%dma_start3A_229 : memref<!tpu.dma_semaphore, #tpu.memory_space<semaphore_mem>>)
    %scan3A = arith.constant 0 : i32
    %scan3A_236 = arith.constant 8 : i32
    %scan3A_237 = arith.addi %scan3A, %scan3A_236 : i32
    %scan3A_238 = arith.constant 1 : i32
    scf.for %scan3A_420 = %scan3A to %scan3A_237 step %scan3A_238  : i32 {
      %mul3A_421 = arith.constant 1 : i32
      %mul3A_422 = arith.muli %scan3A_420, %mul3A_421 : i32
      %add3A_423 = arith.constant 1 : i32
      %add3A_424 = arith.addi %add3A_423, %mul3A_422 : i32
      %mul3A_425 = arith.constant 4 : i32
      %mul3A_426 = arith.muli %add3A_424, %mul3A_425 : i32
      %add3A_427 = arith.constant 0 : i32
      %add3A_428 = arith.addi %mul3A_426, %add3A_427 : i32
      %mul3A_429 = arith.constant 160 : i32
      %mul3A_430 = arith.muli %add3A_428, %mul3A_429 : i32
      %dma_wait3A_431 = arith.constant 0 : i32
      %dma_wait3A_432 = arith.constant 0 : i32
      %dma_wait3A_433 = arith.constant 0 : i32
      %dma_wait3A_434 = arith.constant 0 : i32
      %dma_wait3A_435 = tpu.memref_slice %arg6[%dma_wait3A_431, %dma_wait3A_433, %dma_wait3A_434] : memref<4x160x128xf32, #tpu.memory_space<vmem>> -> memref<1x160x128xf32, #tpu.memory_space<vmem>>
      %dma_wait3A_436 = tpu.memref_squeeze %dma_wait3A_435 : memref<1x160x128xf32, #tpu.memory_space<vmem>> -> memref<160x128xf32, #tpu.memory_space<vmem>>
      %dma_wait3A_437 = tpu.memref_slice %arg5[%mul3A_430] : memref<6400xi32, #tpu.memory_space<vmem>> -> memref<160xi32, #tpu.memory_space<vmem>>
      %dma_wait3A_438 = arith.constant 0 : i32
      %dma_wait3A_439 = arith.constant 0 : i32
      %dma_wait3A_440 = tpu.memref_slice %arg2[%dma_wait3A_438, %dma_wait3A_439] : memref<100000x128xf32, #tpu.memory_space<hbm>> -> memref<100000x128xf32, #tpu.memory_space<hbm>>
      %dma_wait3A_441 = tpu.memref_slice %arg8[%dma_wait3A_432] : memref<4x!tpu.dma_semaphore, #tpu.memory_space<semaphore_mem>> -> memref<1x!tpu.dma_semaphore, #tpu.memory_space<semaphore_mem>>
      %dma_wait3A_442 = tpu.memref_squeeze %dma_wait3A_441 : memref<1x!tpu.dma_semaphore, #tpu.memory_space<semaphore_mem>> -> memref<!tpu.dma_semaphore, #tpu.memory_space<semaphore_mem>>
      tpu.wait_indirect_dma semaphore(%dma_wait3A_442 : memref<!tpu.dma_semaphore, #tpu.memory_space<semaphore_mem>>) src(%dma_wait3A_440 : memref<100000x128xf32, #tpu.memory_space<hbm>>) dst(%dma_wait3A_436 : memref<160x128xf32, #tpu.memory_space<vmem>>)
      %sub3A = arith.constant 2 : i32
      %sub3A_443 = arith.subi %add3A_428, %sub3A : i32
      %mul3A_444 = arith.constant 160 : i32
      %mul3A_445 = arith.muli %sub3A_443, %mul3A_444 : i32
      %add3A_446 = arith.addi %mul3A_2, %mul3A_445 : i32
      %dma_wait3A_447 = arith.constant 0 : i32
      %dma_wait3A_448 = arith.constant 0 : i32
      %dma_wait3A_449 = tpu.memref_slice %arg9[%dma_wait3A_448] : memref<2x!tpu.dma_semaphore, #tpu.memory_space<semaphore_mem>> -> memref<1x!tpu.dma_semaphore, #tpu.memory_space<semaphore_mem>>
      %dma_wait3A_450 = tpu.memref_squeeze %dma_wait3A_449 : memref<1x!tpu.dma_semaphore, #tpu.memory_space<semaphore_mem>> -> memref<!tpu.dma_semaphore, #tpu.memory_space<semaphore_mem>>
      %dma_wait3A_451 = arith.constant 0 : i32
      %dma_wait3A_452 = tpu.memref_slice %arg4[%add3A_446, %dma_wait3A_451] : memref<204800x128xf32, #tpu.memory_space<hbm>> -> memref<160x128xf32, #tpu.memory_space<hbm>>
      %dma_wait3A_453 = arith.constant 0 : i32
      %dma_wait3A_454 = arith.constant 0 : i32
      %dma_wait3A_455 = tpu.memref_slice %arg7[%arg1, %dma_wait3A_447, %dma_wait3A_453, %dma_wait3A_454] : memref<16x2x160x128xf32, #tpu.memory_space<vmem_shared>> -> memref<1x1x160x128xf32, #tpu.memory_space<vmem_shared>>
      %dma_wait3A_456 = tpu.memref_squeeze %dma_wait3A_455 : memref<1x1x160x128xf32, #tpu.memory_space<vmem_shared>> -> memref<160x128xf32, #tpu.memory_space<vmem_shared>>
      tpu.wait_dma2 semaphore(%dma_wait3A_450 : memref<!tpu.dma_semaphore, #tpu.memory_space<semaphore_mem>>) src(%dma_wait3A_456 : memref<160x128xf32, #tpu.memory_space<vmem_shared>>) dst(%dma_wait3A_452 : memref<160x128xf32, #tpu.memory_space<hbm>>)
      %run_scoped3A_457 = arith.constant 0 : i32
      %run_scoped3A_458 = arith.constant 0 : i32
      "tpu.region"() ({
        %run_scoped3A_680 = tpu.sem_alloc : memref<!tpu.dma_semaphore, #tpu.memory_space<semaphore_mem>>
        %dma_start3A_681 = arith.constant 0 : i32
        %dma_start3A_682 = arith.constant 0 : i32
        %dma_start3A_683 = tpu.memref_slice %arg6[%run_scoped3A_457, %dma_start3A_681, %dma_start3A_682] : memref<4x160x128xf32, #tpu.memory_space<vmem>> -> memref<1x160x128xf32, #tpu.memory_space<vmem>>
        %dma_start3A_684 = tpu.memref_squeeze %dma_start3A_683 : memref<1x160x128xf32, #tpu.memory_space<vmem>> -> memref<160x128xf32, #tpu.memory_space<vmem>>
        %dma_start3A_685 = arith.constant 0 : i32
        %dma_start3A_686 = arith.constant 0 : i32
        %dma_start3A_687 = tpu.memref_slice %arg7[%arg1, %run_scoped3A_458, %dma_start3A_685, %dma_start3A_686] : memref<16x2x160x128xf32, #tpu.memory_space<vmem_shared>> -> memref<1x1x160x128xf32, #tpu.memory_space<vmem_shared>>
        %dma_start3A_688 = tpu.memref_squeeze %dma_start3A_687 : memref<1x1x160x128xf32, #tpu.memory_space<vmem_shared>> -> memref<160x128xf32, #tpu.memory_space<vmem_shared>>
        %dma_start3A_689 = arith.constant 0 : i32
        %dma_start3A_690 = arith.constant 0 : i32
        %dma_start3A_691 = tpu.memref_slice %arg7[%arg1, %run_scoped3A_458, %dma_start3A_689, %dma_start3A_690] : memref<16x2x160x128xf32, #tpu.memory_space<vmem_shared>> -> memref<1x1x160x128xf32, #tpu.memory_space<vmem_shared>>
        %dma_start3A_692 = tpu.memref_squeeze %dma_start3A_691 : memref<1x1x160x128xf32, #tpu.memory_space<vmem_shared>> -> memref<160x128xf32, #tpu.memory_space<vmem_shared>>
        %dma_start3A_693 = arith.constant 0 : i32
        %dma_start3A_694 = arith.constant 0 : i32
        %dma_start3A_695 = tpu.memref_slice %arg6[%run_scoped3A_457, %dma_start3A_693, %dma_start3A_694] : memref<4x160x128xf32, #tpu.memory_space<vmem>> -> memref<1x160x128xf32, #tpu.memory_space<vmem>>
        %dma_start3A_696 = tpu.memref_squeeze %dma_start3A_695 : memref<1x160x128xf32, #tpu.memory_space<vmem>> -> memref<160x128xf32, #tpu.memory_space<vmem>>
        tpu.enqueue_dma source(%dma_start3A_696 : memref<160x128xf32, #tpu.memory_space<vmem>>) target(%dma_start3A_692 : memref<160x128xf32, #tpu.memory_space<vmem_shared>>) target_semaphore(%run_scoped3A_680 : memref<!tpu.dma_semaphore, #tpu.memory_space<semaphore_mem>>)
        %dma_wait3A_697 = arith.constant 0 : i32
        %dma_wait3A_698 = arith.constant 0 : i32
        %dma_wait3A_699 = tpu.memref_slice %arg6[%run_scoped3A_457, %dma_wait3A_697, %dma_wait3A_698] : memref<4x160x128xf32, #tpu.memory_space<vmem>> -> memref<1x160x128xf32, #tpu.memory_space<vmem>>
        %dma_wait3A_700 = tpu.memref_squeeze %dma_wait3A_699 : memref<1x160x128xf32, #tpu.memory_space<vmem>> -> memref<160x128xf32, #tpu.memory_space<vmem>>
        %dma_wait3A_701 = arith.constant 0 : i32
        %dma_wait3A_702 = arith.constant 0 : i32
        %dma_wait3A_703 = tpu.memref_slice %arg7[%arg1, %run_scoped3A_458, %dma_wait3A_701, %dma_wait3A_702] : memref<16x2x160x128xf32, #tpu.memory_space<vmem_shared>> -> memref<1x1x160x128xf32, #tpu.memory_space<vmem_shared>>
        %dma_wait3A_704 = tpu.memref_squeeze %dma_wait3A_703 : memref<1x1x160x128xf32, #tpu.memory_space<vmem_shared>> -> memref<160x128xf32, #tpu.memory_space<vmem_shared>>
        %dma_wait3A_705 = arith.constant 0 : i32
        %dma_wait3A_706 = arith.constant 0 : i32
        %dma_wait3A_707 = tpu.memref_slice %arg7[%arg1, %run_scoped3A_458, %dma_wait3A_705, %dma_wait3A_706] : memref<16x2x160x128xf32, #tpu.memory_space<vmem_shared>> -> memref<1x1x160x128xf32, #tpu.memory_space<vmem_shared>>
        %dma_wait3A_708 = tpu.memref_squeeze %dma_wait3A_707 : memref<1x1x160x128xf32, #tpu.memory_space<vmem_shared>> -> memref<160x128xf32, #tpu.memory_space<vmem_shared>>
        %dma_wait3A_709 = arith.constant 0 : i32
        %dma_wait3A_710 = arith.constant 0 : i32
        %dma_wait3A_711 = tpu.memref_slice %arg6[%run_scoped3A_457, %dma_wait3A_709, %dma_wait3A_710] : memref<4x160x128xf32, #tpu.memory_space<vmem>> -> memref<1x160x128xf32, #tpu.memory_space<vmem>>
        %dma_wait3A_712 = tpu.memref_squeeze %dma_wait3A_711 : memref<1x160x128xf32, #tpu.memory_space<vmem>> -> memref<160x128xf32, #tpu.memory_space<vmem>>
        tpu.wait_dma2 semaphore(%run_scoped3A_680 : memref<!tpu.dma_semaphore, #tpu.memory_space<semaphore_mem>>) src(%dma_wait3A_712 : memref<160x128xf32, #tpu.memory_space<vmem>>) dst(%dma_wait3A_708 : memref<160x128xf32, #tpu.memory_space<vmem_shared>>)
        tpu.yield
      }) : () -> ()
      %add3A_459 = arith.constant 4 : i32
      %add3A_460 = arith.addi %add3A_428, %add3A_459 : i32
      %mul3A_461 = arith.constant 160 : i32
      %mul3A_462 = arith.muli %add3A_460, %mul3A_461 : i32
      %dma_start3A_463 = arith.constant 0 : i32
      %dma_start3A_464 = arith.constant 0 : i32
      %dma_start3A_465 = arith.constant 0 : i32
      %dma_start3A_466 = arith.constant 0 : i32
      %dma_start3A_467 = tpu.memref_slice %arg6[%dma_start3A_463, %dma_start3A_465, %dma_start3A_466] : memref<4x160x128xf32, #tpu.memory_space<vmem>> -> memref<1x160x128xf32, #tpu.memory_space<vmem>>
      %dma_start3A_468 = tpu.memref_squeeze %dma_start3A_467 : memref<1x160x128xf32, #tpu.memory_space<vmem>> -> memref<160x128xf32, #tpu.memory_space<vmem>>
      %dma_start3A_469 = tpu.memref_slice %arg5[%mul3A_462] : memref<6400xi32, #tpu.memory_space<vmem>> -> memref<160xi32, #tpu.memory_space<vmem>>
      %dma_start3A_470 = arith.constant 0 : i32
      %dma_start3A_471 = arith.constant 0 : i32
      %dma_start3A_472 = tpu.memref_slice %arg2[%dma_start3A_470, %dma_start3A_471] : memref<100000x128xf32, #tpu.memory_space<hbm>> -> memref<100000x128xf32, #tpu.memory_space<hbm>>
      %dma_start3A_473 = tpu.memref_slice %arg8[%dma_start3A_464] : memref<4x!tpu.dma_semaphore, #tpu.memory_space<semaphore_mem>> -> memref<1x!tpu.dma_semaphore, #tpu.memory_space<semaphore_mem>>
      %dma_start3A_474 = tpu.memref_squeeze %dma_start3A_473 : memref<1x!tpu.dma_semaphore, #tpu.memory_space<semaphore_mem>> -> memref<!tpu.dma_semaphore, #tpu.memory_space<semaphore_mem>>
      tpu.enqueue_indirect_dma source(%dma_start3A_472 : memref<100000x128xf32, #tpu.memory_space<hbm>>) target(%dma_start3A_468 : memref<160x128xf32, #tpu.memory_space<vmem>>) offsets(%dma_start3A_469 : memref<160xi32, #tpu.memory_space<vmem>>) semaphore(%dma_start3A_474 : memref<!tpu.dma_semaphore, #tpu.memory_space<semaphore_mem>>)
      %mul3A_475 = arith.constant 160 : i32
      %mul3A_476 = arith.muli %add3A_428, %mul3A_475 : i32
      %add3A_477 = arith.addi %mul3A_2, %mul3A_476 : i32
      %dma_start3A_478 = arith.constant 0 : i32
      %dma_start3A_479 = arith.constant 0 : i32
      %dma_start3A_480 = tpu.memref_slice %arg9[%dma_start3A_479] : memref<2x!tpu.dma_semaphore, #tpu.memory_space<semaphore_mem>> -> memref<1x!tpu.dma_semaphore, #tpu.memory_space<semaphore_mem>>
      %dma_start3A_481 = tpu.memref_squeeze %dma_start3A_480 : memref<1x!tpu.dma_semaphore, #tpu.memory_space<semaphore_mem>> -> memref<!tpu.dma_semaphore, #tpu.memory_space<semaphore_mem>>
      %dma_start3A_482 = arith.constant 0 : i32
      %dma_start3A_483 = tpu.memref_slice %arg4[%add3A_477, %dma_start3A_482] : memref<204800x128xf32, #tpu.memory_space<hbm>> -> memref<160x128xf32, #tpu.memory_space<hbm>>
      %dma_start3A_484 = arith.constant 0 : i32
      %dma_start3A_485 = arith.constant 0 : i32
      %dma_start3A_486 = tpu.memref_slice %arg7[%arg1, %dma_start3A_478, %dma_start3A_484, %dma_start3A_485] : memref<16x2x160x128xf32, #tpu.memory_space<vmem_shared>> -> memref<1x1x160x128xf32, #tpu.memory_space<vmem_shared>>
      %dma_start3A_487 = tpu.memref_squeeze %dma_start3A_486 : memref<1x1x160x128xf32, #tpu.memory_space<vmem_shared>> -> memref<160x128xf32, #tpu.memory_space<vmem_shared>>
      tpu.enqueue_dma source(%dma_start3A_487 : memref<160x128xf32, #tpu.memory_space<vmem_shared>>) target(%dma_start3A_483 : memref<160x128xf32, #tpu.memory_space<hbm>>) target_semaphore(%dma_start3A_481 : memref<!tpu.dma_semaphore, #tpu.memory_space<semaphore_mem>>)
      %mul3A_488 = arith.constant 4 : i32
      %mul3A_489 = arith.muli %add3A_424, %mul3A_488 : i32
      %add3A_490 = arith.constant 1 : i32
      %add3A_491 = arith.addi %mul3A_489, %add3A_490 : i32
      %mul3A_492 = arith.constant 160 : i32
      %mul3A_493 = arith.muli %add3A_491, %mul3A_492 : i32
      %dma_wait3A_494 = arith.constant 1 : i32
      %dma_wait3A_495 = arith.constant 1 : i32
      %dma_wait3A_496 = arith.constant 0 : i32
      %dma_wait3A_497 = arith.constant 0 : i32
      %dma_wait3A_498 = tpu.memref_slice %arg6[%dma_wait3A_494, %dma_wait3A_496, %dma_wait3A_497] : memref<4x160x128xf32, #tpu.memory_space<vmem>> -> memref<1x160x128xf32, #tpu.memory_space<vmem>>
      %dma_wait3A_499 = tpu.memref_squeeze %dma_wait3A_498 : memref<1x160x128xf32, #tpu.memory_space<vmem>> -> memref<160x128xf32, #tpu.memory_space<vmem>>
      %dma_wait3A_500 = tpu.memref_slice %arg5[%mul3A_493] : memref<6400xi32, #tpu.memory_space<vmem>> -> memref<160xi32, #tpu.memory_space<vmem>>
      %dma_wait3A_501 = arith.constant 0 : i32
      %dma_wait3A_502 = arith.constant 0 : i32
      %dma_wait3A_503 = tpu.memref_slice %arg2[%dma_wait3A_501, %dma_wait3A_502] : memref<100000x128xf32, #tpu.memory_space<hbm>> -> memref<100000x128xf32, #tpu.memory_space<hbm>>
      %dma_wait3A_504 = tpu.memref_slice %arg8[%dma_wait3A_495] : memref<4x!tpu.dma_semaphore, #tpu.memory_space<semaphore_mem>> -> memref<1x!tpu.dma_semaphore, #tpu.memory_space<semaphore_mem>>
      %dma_wait3A_505 = tpu.memref_squeeze %dma_wait3A_504 : memref<1x!tpu.dma_semaphore, #tpu.memory_space<semaphore_mem>> -> memref<!tpu.dma_semaphore, #tpu.memory_space<semaphore_mem>>
      tpu.wait_indirect_dma semaphore(%dma_wait3A_505 : memref<!tpu.dma_semaphore, #tpu.memory_space<semaphore_mem>>) src(%dma_wait3A_503 : memref<100000x128xf32, #tpu.memory_space<hbm>>) dst(%dma_wait3A_499 : memref<160x128xf32, #tpu.memory_space<vmem>>)
      %sub3A_506 = arith.constant 2 : i32
      %sub3A_507 = arith.subi %add3A_491, %sub3A_506 : i32
      %mul3A_508 = arith.constant 160 : i32
      %mul3A_509 = arith.muli %sub3A_507, %mul3A_508 : i32
      %add3A_510 = arith.addi %mul3A_2, %mul3A_509 : i32
      %dma_wait3A_511 = arith.constant 1 : i32
      %dma_wait3A_512 = arith.constant 1 : i32
      %dma_wait3A_513 = tpu.memref_slice %arg9[%dma_wait3A_512] : memref<2x!tpu.dma_semaphore, #tpu.memory_space<semaphore_mem>> -> memref<1x!tpu.dma_semaphore, #tpu.memory_space<semaphore_mem>>
      %dma_wait3A_514 = tpu.memref_squeeze %dma_wait3A_513 : memref<1x!tpu.dma_semaphore, #tpu.memory_space<semaphore_mem>> -> memref<!tpu.dma_semaphore, #tpu.memory_space<semaphore_mem>>
      %dma_wait3A_515 = arith.constant 0 : i32
      %dma_wait3A_516 = tpu.memref_slice %arg4[%add3A_510, %dma_wait3A_515] : memref<204800x128xf32, #tpu.memory_space<hbm>> -> memref<160x128xf32, #tpu.memory_space<hbm>>
      %dma_wait3A_517 = arith.constant 0 : i32
      %dma_wait3A_518 = arith.constant 0 : i32
      %dma_wait3A_519 = tpu.memref_slice %arg7[%arg1, %dma_wait3A_511, %dma_wait3A_517, %dma_wait3A_518] : memref<16x2x160x128xf32, #tpu.memory_space<vmem_shared>> -> memref<1x1x160x128xf32, #tpu.memory_space<vmem_shared>>
      %dma_wait3A_520 = tpu.memref_squeeze %dma_wait3A_519 : memref<1x1x160x128xf32, #tpu.memory_space<vmem_shared>> -> memref<160x128xf32, #tpu.memory_space<vmem_shared>>
      tpu.wait_dma2 semaphore(%dma_wait3A_514 : memref<!tpu.dma_semaphore, #tpu.memory_space<semaphore_mem>>) src(%dma_wait3A_520 : memref<160x128xf32, #tpu.memory_space<vmem_shared>>) dst(%dma_wait3A_516 : memref<160x128xf32, #tpu.memory_space<hbm>>)
      %run_scoped3A_521 = arith.constant 1 : i32
      %run_scoped3A_522 = arith.constant 1 : i32
      "tpu.region"() ({
        %run_scoped3A_680 = tpu.sem_alloc : memref<!tpu.dma_semaphore, #tpu.memory_space<semaphore_mem>>
        %dma_start3A_681 = arith.constant 0 : i32
        %dma_start3A_682 = arith.constant 0 : i32
        %dma_start3A_683 = tpu.memref_slice %arg6[%run_scoped3A_521, %dma_start3A_681, %dma_start3A_682] : memref<4x160x128xf32, #tpu.memory_space<vmem>> -> memref<1x160x128xf32, #tpu.memory_space<vmem>>
        %dma_start3A_684 = tpu.memref_squeeze %dma_start3A_683 : memref<1x160x128xf32, #tpu.memory_space<vmem>> -> memref<160x128xf32, #tpu.memory_space<vmem>>
        %dma_start3A_685 = arith.constant 0 : i32
        %dma_start3A_686 = arith.constant 0 : i32
        %dma_start3A_687 = tpu.memref_slice %arg7[%arg1, %run_scoped3A_522, %dma_start3A_685, %dma_start3A_686] : memref<16x2x160x128xf32, #tpu.memory_space<vmem_shared>> -> memref<1x1x160x128xf32, #tpu.memory_space<vmem_shared>>
        %dma_start3A_688 = tpu.memref_squeeze %dma_start3A_687 : memref<1x1x160x128xf32, #tpu.memory_space<vmem_shared>> -> memref<160x128xf32, #tpu.memory_space<vmem_shared>>
        %dma_start3A_689 = arith.constant 0 : i32
        %dma_start3A_690 = arith.constant 0 : i32
        %dma_start3A_691 = tpu.memref_slice %arg7[%arg1, %run_scoped3A_522, %dma_start3A_689, %dma_start3A_690] : memref<16x2x160x128xf32, #tpu.memory_space<vmem_shared>> -> memref<1x1x160x128xf32, #tpu.memory_space<vmem_shared>>
        %dma_start3A_692 = tpu.memref_squeeze %dma_start3A_691 : memref<1x1x160x128xf32, #tpu.memory_space<vmem_shared>> -> memref<160x128xf32, #tpu.memory_space<vmem_shared>>
        %dma_start3A_693 = arith.constant 0 : i32
        %dma_start3A_694 = arith.constant 0 : i32
        %dma_start3A_695 = tpu.memref_slice %arg6[%run_scoped3A_521, %dma_start3A_693, %dma_start3A_694] : memref<4x160x128xf32, #tpu.memory_space<vmem>> -> memref<1x160x128xf32, #tpu.memory_space<vmem>>
        %dma_start3A_696 = tpu.memref_squeeze %dma_start3A_695 : memref<1x160x128xf32, #tpu.memory_space<vmem>> -> memref<160x128xf32, #tpu.memory_space<vmem>>
        tpu.enqueue_dma source(%dma_start3A_696 : memref<160x128xf32, #tpu.memory_space<vmem>>) target(%dma_start3A_692 : memref<160x128xf32, #tpu.memory_space<vmem_shared>>) target_semaphore(%run_scoped3A_680 : memref<!tpu.dma_semaphore, #tpu.memory_space<semaphore_mem>>)
        %dma_wait3A_697 = arith.constant 0 : i32
        %dma_wait3A_698 = arith.constant 0 : i32
        %dma_wait3A_699 = tpu.memref_slice %arg6[%run_scoped3A_521, %dma_wait3A_697, %dma_wait3A_698] : memref<4x160x128xf32, #tpu.memory_space<vmem>> -> memref<1x160x128xf32, #tpu.memory_space<vmem>>
        %dma_wait3A_700 = tpu.memref_squeeze %dma_wait3A_699 : memref<1x160x128xf32, #tpu.memory_space<vmem>> -> memref<160x128xf32, #tpu.memory_space<vmem>>
        %dma_wait3A_701 = arith.constant 0 : i32
        %dma_wait3A_702 = arith.constant 0 : i32
        %dma_wait3A_703 = tpu.memref_slice %arg7[%arg1, %run_scoped3A_522, %dma_wait3A_701, %dma_wait3A_702] : memref<16x2x160x128xf32, #tpu.memory_space<vmem_shared>> -> memref<1x1x160x128xf32, #tpu.memory_space<vmem_shared>>
        %dma_wait3A_704 = tpu.memref_squeeze %dma_wait3A_703 : memref<1x1x160x128xf32, #tpu.memory_space<vmem_shared>> -> memref<160x128xf32, #tpu.memory_space<vmem_shared>>
        %dma_wait3A_705 = arith.constant 0 : i32
        %dma_wait3A_706 = arith.constant 0 : i32
        %dma_wait3A_707 = tpu.memref_slice %arg7[%arg1, %run_scoped3A_522, %dma_wait3A_705, %dma_wait3A_706] : memref<16x2x160x128xf32, #tpu.memory_space<vmem_shared>> -> memref<1x1x160x128xf32, #tpu.memory_space<vmem_shared>>
        %dma_wait3A_708 = tpu.memref_squeeze %dma_wait3A_707 : memref<1x1x160x128xf32, #tpu.memory_space<vmem_shared>> -> memref<160x128xf32, #tpu.memory_space<vmem_shared>>
        %dma_wait3A_709 = arith.constant 0 : i32
        %dma_wait3A_710 = arith.constant 0 : i32
        %dma_wait3A_711 = tpu.memref_slice %arg6[%run_scoped3A_521, %dma_wait3A_709, %dma_wait3A_710] : memref<4x160x128xf32, #tpu.memory_space<vmem>> -> memref<1x160x128xf32, #tpu.memory_space<vmem>>
        %dma_wait3A_712 = tpu.memref_squeeze %dma_wait3A_711 : memref<1x160x128xf32, #tpu.memory_space<vmem>> -> memref<160x128xf32, #tpu.memory_space<vmem>>
        tpu.wait_dma2 semaphore(%run_scoped3A_680 : memref<!tpu.dma_semaphore, #tpu.memory_space<semaphore_mem>>) src(%dma_wait3A_712 : memref<160x128xf32, #tpu.memory_space<vmem>>) dst(%dma_wait3A_708 : memref<160x128xf32, #tpu.memory_space<vmem_shared>>)
        tpu.yield
      }) : () -> ()
      %add3A_523 = arith.constant 4 : i32
      %add3A_524 = arith.addi %add3A_491, %add3A_523 : i32
      %mul3A_525 = arith.constant 160 : i32
      %mul3A_526 = arith.muli %add3A_524, %mul3A_525 : i32
      %dma_start3A_527 = arith.constant 1 : i32
      %dma_start3A_528 = arith.constant 1 : i32
      %dma_start3A_529 = arith.constant 0 : i32
      %dma_start3A_530 = arith.constant 0 : i32
      %dma_start3A_531 = tpu.memref_slice %arg6[%dma_start3A_527, %dma_start3A_529, %dma_start3A_530] : memref<4x160x128xf32, #tpu.memory_space<vmem>> -> memref<1x160x128xf32, #tpu.memory_space<vmem>>
      %dma_start3A_532 = tpu.memref_squeeze %dma_start3A_531 : memref<1x160x128xf32, #tpu.memory_space<vmem>> -> memref<160x128xf32, #tpu.memory_space<vmem>>
      %dma_start3A_533 = tpu.memref_slice %arg5[%mul3A_526] : memref<6400xi32, #tpu.memory_space<vmem>> -> memref<160xi32, #tpu.memory_space<vmem>>
      %dma_start3A_534 = arith.constant 0 : i32
      %dma_start3A_535 = arith.constant 0 : i32
      %dma_start3A_536 = tpu.memref_slice %arg2[%dma_start3A_534, %dma_start3A_535] : memref<100000x128xf32, #tpu.memory_space<hbm>> -> memref<100000x128xf32, #tpu.memory_space<hbm>>
      %dma_start3A_537 = tpu.memref_slice %arg8[%dma_start3A_528] : memref<4x!tpu.dma_semaphore, #tpu.memory_space<semaphore_mem>> -> memref<1x!tpu.dma_semaphore, #tpu.memory_space<semaphore_mem>>
      %dma_start3A_538 = tpu.memref_squeeze %dma_start3A_537 : memref<1x!tpu.dma_semaphore, #tpu.memory_space<semaphore_mem>> -> memref<!tpu.dma_semaphore, #tpu.memory_space<semaphore_mem>>
      tpu.enqueue_indirect_dma source(%dma_start3A_536 : memref<100000x128xf32, #tpu.memory_space<hbm>>) target(%dma_start3A_532 : memref<160x128xf32, #tpu.memory_space<vmem>>) offsets(%dma_start3A_533 : memref<160xi32, #tpu.memory_space<vmem>>) semaphore(%dma_start3A_538 : memref<!tpu.dma_semaphore, #tpu.memory_space<semaphore_mem>>)
      %mul3A_539 = arith.constant 160 : i32
      %mul3A_540 = arith.muli %add3A_491, %mul3A_539 : i32
      %add3A_541 = arith.addi %mul3A_2, %mul3A_540 : i32
      %dma_start3A_542 = arith.constant 1 : i32
      %dma_start3A_543 = arith.constant 1 : i32
      %dma_start3A_544 = tpu.memref_slice %arg9[%dma_start3A_543] : memref<2x!tpu.dma_semaphore, #tpu.memory_space<semaphore_mem>> -> memref<1x!tpu.dma_semaphore, #tpu.memory_space<semaphore_mem>>
      %dma_start3A_545 = tpu.memref_squeeze %dma_start3A_544 : memref<1x!tpu.dma_semaphore, #tpu.memory_space<semaphore_mem>> -> memref<!tpu.dma_semaphore, #tpu.memory_space<semaphore_mem>>
      %dma_start3A_546 = arith.constant 0 : i32
      %dma_start3A_547 = tpu.memref_slice %arg4[%add3A_541, %dma_start3A_546] : memref<204800x128xf32, #tpu.memory_space<hbm>> -> memref<160x128xf32, #tpu.memory_space<hbm>>
      %dma_start3A_548 = arith.constant 0 : i32
      %dma_start3A_549 = arith.constant 0 : i32
      %dma_start3A_550 = tpu.memref_slice %arg7[%arg1, %dma_start3A_542, %dma_start3A_548, %dma_start3A_549] : memref<16x2x160x128xf32, #tpu.memory_space<vmem_shared>> -> memref<1x1x160x128xf32, #tpu.memory_space<vmem_shared>>
      %dma_start3A_551 = tpu.memref_squeeze %dma_start3A_550 : memref<1x1x160x128xf32, #tpu.memory_space<vmem_shared>> -> memref<160x128xf32, #tpu.memory_space<vmem_shared>>
      tpu.enqueue_dma source(%dma_start3A_551 : memref<160x128xf32, #tpu.memory_space<vmem_shared>>) target(%dma_start3A_547 : memref<160x128xf32, #tpu.memory_space<hbm>>) target_semaphore(%dma_start3A_545 : memref<!tpu.dma_semaphore, #tpu.memory_space<semaphore_mem>>)
      %mul3A_552 = arith.constant 4 : i32
      %mul3A_553 = arith.muli %add3A_424, %mul3A_552 : i32
      %add3A_554 = arith.constant 2 : i32
      %add3A_555 = arith.addi %mul3A_553, %add3A_554 : i32
      %mul3A_556 = arith.constant 160 : i32
      %mul3A_557 = arith.muli %add3A_555, %mul3A_556 : i32
      %dma_wait3A_558 = arith.constant 2 : i32
      %dma_wait3A_559 = arith.constant 2 : i32
      %dma_wait3A_560 = arith.constant 0 : i32
      %dma_wait3A_561 = arith.constant 0 : i32
      %dma_wait3A_562 = tpu.memref_slice %arg6[%dma_wait3A_558, %dma_wait3A_560, %dma_wait3A_561] : memref<4x160x128xf32, #tpu.memory_space<vmem>> -> memref<1x160x128xf32, #tpu.memory_space<vmem>>
      %dma_wait3A_563 = tpu.memref_squeeze %dma_wait3A_562 : memref<1x160x128xf32, #tpu.memory_space<vmem>> -> memref<160x128xf32, #tpu.memory_space<vmem>>
      %dma_wait3A_564 = tpu.memref_slice %arg5[%mul3A_557] : memref<6400xi32, #tpu.memory_space<vmem>> -> memref<160xi32, #tpu.memory_space<vmem>>
      %dma_wait3A_565 = arith.constant 0 : i32
      %dma_wait3A_566 = arith.constant 0 : i32
      %dma_wait3A_567 = tpu.memref_slice %arg2[%dma_wait3A_565, %dma_wait3A_566] : memref<100000x128xf32, #tpu.memory_space<hbm>> -> memref<100000x128xf32, #tpu.memory_space<hbm>>
      %dma_wait3A_568 = tpu.memref_slice %arg8[%dma_wait3A_559] : memref<4x!tpu.dma_semaphore, #tpu.memory_space<semaphore_mem>> -> memref<1x!tpu.dma_semaphore, #tpu.memory_space<semaphore_mem>>
      %dma_wait3A_569 = tpu.memref_squeeze %dma_wait3A_568 : memref<1x!tpu.dma_semaphore, #tpu.memory_space<semaphore_mem>> -> memref<!tpu.dma_semaphore, #tpu.memory_space<semaphore_mem>>
      tpu.wait_indirect_dma semaphore(%dma_wait3A_569 : memref<!tpu.dma_semaphore, #tpu.memory_space<semaphore_mem>>) src(%dma_wait3A_567 : memref<100000x128xf32, #tpu.memory_space<hbm>>) dst(%dma_wait3A_563 : memref<160x128xf32, #tpu.memory_space<vmem>>)
      %sub3A_570 = arith.constant 2 : i32
      %sub3A_571 = arith.subi %add3A_555, %sub3A_570 : i32
      %mul3A_572 = arith.constant 160 : i32
      %mul3A_573 = arith.muli %sub3A_571, %mul3A_572 : i32
      %add3A_574 = arith.addi %mul3A_2, %mul3A_573 : i32
      %dma_wait3A_575 = arith.constant 0 : i32
      %dma_wait3A_576 = arith.constant 0 : i32
      %dma_wait3A_577 = tpu.memref_slice %arg9[%dma_wait3A_576] : memref<2x!tpu.dma_semaphore, #tpu.memory_space<semaphore_mem>> -> memref<1x!tpu.dma_semaphore, #tpu.memory_space<semaphore_mem>>
      %dma_wait3A_578 = tpu.memref_squeeze %dma_wait3A_577 : memref<1x!tpu.dma_semaphore, #tpu.memory_space<semaphore_mem>> -> memref<!tpu.dma_semaphore, #tpu.memory_space<semaphore_mem>>
      %dma_wait3A_579 = arith.constant 0 : i32
      %dma_wait3A_580 = tpu.memref_slice %arg4[%add3A_574, %dma_wait3A_579] : memref<204800x128xf32, #tpu.memory_space<hbm>> -> memref<160x128xf32, #tpu.memory_space<hbm>>
      %dma_wait3A_581 = arith.constant 0 : i32
      %dma_wait3A_582 = arith.constant 0 : i32
      %dma_wait3A_583 = tpu.memref_slice %arg7[%arg1, %dma_wait3A_575, %dma_wait3A_581, %dma_wait3A_582] : memref<16x2x160x128xf32, #tpu.memory_space<vmem_shared>> -> memref<1x1x160x128xf32, #tpu.memory_space<vmem_shared>>
      %dma_wait3A_584 = tpu.memref_squeeze %dma_wait3A_583 : memref<1x1x160x128xf32, #tpu.memory_space<vmem_shared>> -> memref<160x128xf32, #tpu.memory_space<vmem_shared>>
      tpu.wait_dma2 semaphore(%dma_wait3A_578 : memref<!tpu.dma_semaphore, #tpu.memory_space<semaphore_mem>>) src(%dma_wait3A_584 : memref<160x128xf32, #tpu.memory_space<vmem_shared>>) dst(%dma_wait3A_580 : memref<160x128xf32, #tpu.memory_space<hbm>>)
      %run_scoped3A_585 = arith.constant 2 : i32
      %run_scoped3A_586 = arith.constant 0 : i32
      "tpu.region"() ({
        %run_scoped3A_680 = tpu.sem_alloc : memref<!tpu.dma_semaphore, #tpu.memory_space<semaphore_mem>>
        %dma_start3A_681 = arith.constant 0 : i32
        %dma_start3A_682 = arith.constant 0 : i32
        %dma_start3A_683 = tpu.memref_slice %arg6[%run_scoped3A_585, %dma_start3A_681, %dma_start3A_682] : memref<4x160x128xf32, #tpu.memory_space<vmem>> -> memref<1x160x128xf32, #tpu.memory_space<vmem>>
        %dma_start3A_684 = tpu.memref_squeeze %dma_start3A_683 : memref<1x160x128xf32, #tpu.memory_space<vmem>> -> memref<160x128xf32, #tpu.memory_space<vmem>>
        %dma_start3A_685 = arith.constant 0 : i32
        %dma_start3A_686 = arith.constant 0 : i32
        %dma_start3A_687 = tpu.memref_slice %arg7[%arg1, %run_scoped3A_586, %dma_start3A_685, %dma_start3A_686] : memref<16x2x160x128xf32, #tpu.memory_space<vmem_shared>> -> memref<1x1x160x128xf32, #tpu.memory_space<vmem_shared>>
        %dma_start3A_688 = tpu.memref_squeeze %dma_start3A_687 : memref<1x1x160x128xf32, #tpu.memory_space<vmem_shared>> -> memref<160x128xf32, #tpu.memory_space<vmem_shared>>
        %dma_start3A_689 = arith.constant 0 : i32
        %dma_start3A_690 = arith.constant 0 : i32
        %dma_start3A_691 = tpu.memref_slice %arg7[%arg1, %run_scoped3A_586, %dma_start3A_689, %dma_start3A_690] : memref<16x2x160x128xf32, #tpu.memory_space<vmem_shared>> -> memref<1x1x160x128xf32, #tpu.memory_space<vmem_shared>>
        %dma_start3A_692 = tpu.memref_squeeze %dma_start3A_691 : memref<1x1x160x128xf32, #tpu.memory_space<vmem_shared>> -> memref<160x128xf32, #tpu.memory_space<vmem_shared>>
        %dma_start3A_693 = arith.constant 0 : i32
        %dma_start3A_694 = arith.constant 0 : i32
        %dma_start3A_695 = tpu.memref_slice %arg6[%run_scoped3A_585, %dma_start3A_693, %dma_start3A_694] : memref<4x160x128xf32, #tpu.memory_space<vmem>> -> memref<1x160x128xf32, #tpu.memory_space<vmem>>
        %dma_start3A_696 = tpu.memref_squeeze %dma_start3A_695 : memref<1x160x128xf32, #tpu.memory_space<vmem>> -> memref<160x128xf32, #tpu.memory_space<vmem>>
        tpu.enqueue_dma source(%dma_start3A_696 : memref<160x128xf32, #tpu.memory_space<vmem>>) target(%dma_start3A_692 : memref<160x128xf32, #tpu.memory_space<vmem_shared>>) target_semaphore(%run_scoped3A_680 : memref<!tpu.dma_semaphore, #tpu.memory_space<semaphore_mem>>)
        %dma_wait3A_697 = arith.constant 0 : i32
        %dma_wait3A_698 = arith.constant 0 : i32
        %dma_wait3A_699 = tpu.memref_slice %arg6[%run_scoped3A_585, %dma_wait3A_697, %dma_wait3A_698] : memref<4x160x128xf32, #tpu.memory_space<vmem>> -> memref<1x160x128xf32, #tpu.memory_space<vmem>>
        %dma_wait3A_700 = tpu.memref_squeeze %dma_wait3A_699 : memref<1x160x128xf32, #tpu.memory_space<vmem>> -> memref<160x128xf32, #tpu.memory_space<vmem>>
        %dma_wait3A_701 = arith.constant 0 : i32
        %dma_wait3A_702 = arith.constant 0 : i32
        %dma_wait3A_703 = tpu.memref_slice %arg7[%arg1, %run_scoped3A_586, %dma_wait3A_701, %dma_wait3A_702] : memref<16x2x160x128xf32, #tpu.memory_space<vmem_shared>> -> memref<1x1x160x128xf32, #tpu.memory_space<vmem_shared>>
        %dma_wait3A_704 = tpu.memref_squeeze %dma_wait3A_703 : memref<1x1x160x128xf32, #tpu.memory_space<vmem_shared>> -> memref<160x128xf32, #tpu.memory_space<vmem_shared>>
        %dma_wait3A_705 = arith.constant 0 : i32
        %dma_wait3A_706 = arith.constant 0 : i32
        %dma_wait3A_707 = tpu.memref_slice %arg7[%arg1, %run_scoped3A_586, %dma_wait3A_705, %dma_wait3A_706] : memref<16x2x160x128xf32, #tpu.memory_space<vmem_shared>> -> memref<1x1x160x128xf32, #tpu.memory_space<vmem_shared>>
        %dma_wait3A_708 = tpu.memref_squeeze %dma_wait3A_707 : memref<1x1x160x128xf32, #tpu.memory_space<vmem_shared>> -> memref<160x128xf32, #tpu.memory_space<vmem_shared>>
        %dma_wait3A_709 = arith.constant 0 : i32
        %dma_wait3A_710 = arith.constant 0 : i32
        %dma_wait3A_711 = tpu.memref_slice %arg6[%run_scoped3A_585, %dma_wait3A_709, %dma_wait3A_710] : memref<4x160x128xf32, #tpu.memory_space<vmem>> -> memref<1x160x128xf32, #tpu.memory_space<vmem>>
        %dma_wait3A_712 = tpu.memref_squeeze %dma_wait3A_711 : memref<1x160x128xf32, #tpu.memory_space<vmem>> -> memref<160x128xf32, #tpu.memory_space<vmem>>
        tpu.wait_dma2 semaphore(%run_scoped3A_680 : memref<!tpu.dma_semaphore, #tpu.memory_space<semaphore_mem>>) src(%dma_wait3A_712 : memref<160x128xf32, #tpu.memory_space<vmem>>) dst(%dma_wait3A_708 : memref<160x128xf32, #tpu.memory_space<vmem_shared>>)
        tpu.yield
      }) : () -> ()
      %add3A_587 = arith.constant 4 : i32
      %add3A_588 = arith.addi %add3A_555, %add3A_587 : i32
      %mul3A_589 = arith.constant 160 : i32
      %mul3A_590 = arith.muli %add3A_588, %mul3A_589 : i32
      %dma_start3A_591 = arith.constant 2 : i32
      %dma_start3A_592 = arith.constant 2 : i32
      %dma_start3A_593 = arith.constant 0 : i32
      %dma_start3A_594 = arith.constant 0 : i32
      %dma_start3A_595 = tpu.memref_slice %arg6[%dma_start3A_591, %dma_start3A_593, %dma_start3A_594] : memref<4x160x128xf32, #tpu.memory_space<vmem>> -> memref<1x160x128xf32, #tpu.memory_space<vmem>>
      %dma_start3A_596 = tpu.memref_squeeze %dma_start3A_595 : memref<1x160x128xf32, #tpu.memory_space<vmem>> -> memref<160x128xf32, #tpu.memory_space<vmem>>
      %dma_start3A_597 = tpu.memref_slice %arg5[%mul3A_590] : memref<6400xi32, #tpu.memory_space<vmem>> -> memref<160xi32, #tpu.memory_space<vmem>>
      %dma_start3A_598 = arith.constant 0 : i32
      %dma_start3A_599 = arith.constant 0 : i32
      %dma_start3A_600 = tpu.memref_slice %arg2[%dma_start3A_598, %dma_start3A_599] : memref<100000x128xf32, #tpu.memory_space<hbm>> -> memref<100000x128xf32, #tpu.memory_space<hbm>>
      %dma_start3A_601 = tpu.memref_slice %arg8[%dma_start3A_592] : memref<4x!tpu.dma_semaphore, #tpu.memory_space<semaphore_mem>> -> memref<1x!tpu.dma_semaphore, #tpu.memory_space<semaphore_mem>>
      %dma_start3A_602 = tpu.memref_squeeze %dma_start3A_601 : memref<1x!tpu.dma_semaphore, #tpu.memory_space<semaphore_mem>> -> memref<!tpu.dma_semaphore, #tpu.memory_space<semaphore_mem>>
      tpu.enqueue_indirect_dma source(%dma_start3A_600 : memref<100000x128xf32, #tpu.memory_space<hbm>>) target(%dma_start3A_596 : memref<160x128xf32, #tpu.memory_space<vmem>>) offsets(%dma_start3A_597 : memref<160xi32, #tpu.memory_space<vmem>>) semaphore(%dma_start3A_602 : memref<!tpu.dma_semaphore, #tpu.memory_space<semaphore_mem>>)
      %mul3A_603 = arith.constant 160 : i32
      %mul3A_604 = arith.muli %add3A_555, %mul3A_603 : i32
      %add3A_605 = arith.addi %mul3A_2, %mul3A_604 : i32
      %dma_start3A_606 = arith.constant 0 : i32
      %dma_start3A_607 = arith.constant 0 : i32
      %dma_start3A_608 = tpu.memref_slice %arg9[%dma_start3A_607] : memref<2x!tpu.dma_semaphore, #tpu.memory_space<semaphore_mem>> -> memref<1x!tpu.dma_semaphore, #tpu.memory_space<semaphore_mem>>
      %dma_start3A_609 = tpu.memref_squeeze %dma_start3A_608 : memref<1x!tpu.dma_semaphore, #tpu.memory_space<semaphore_mem>> -> memref<!tpu.dma_semaphore, #tpu.memory_space<semaphore_mem>>
      %dma_start3A_610 = arith.constant 0 : i32
      %dma_start3A_611 = tpu.memref_slice %arg4[%add3A_605, %dma_start3A_610] : memref<204800x128xf32, #tpu.memory_space<hbm>> -> memref<160x128xf32, #tpu.memory_space<hbm>>
      %dma_start3A_612 = arith.constant 0 : i32
      %dma_start3A_613 = arith.constant 0 : i32
      %dma_start3A_614 = tpu.memref_slice %arg7[%arg1, %dma_start3A_606, %dma_start3A_612, %dma_start3A_613] : memref<16x2x160x128xf32, #tpu.memory_space<vmem_shared>> -> memref<1x1x160x128xf32, #tpu.memory_space<vmem_shared>>
      %dma_start3A_615 = tpu.memref_squeeze %dma_start3A_614 : memref<1x1x160x128xf32, #tpu.memory_space<vmem_shared>> -> memref<160x128xf32, #tpu.memory_space<vmem_shared>>
      tpu.enqueue_dma source(%dma_start3A_615 : memref<160x128xf32, #tpu.memory_space<vmem_shared>>) target(%dma_start3A_611 : memref<160x128xf32, #tpu.memory_space<hbm>>) target_semaphore(%dma_start3A_609 : memref<!tpu.dma_semaphore, #tpu.memory_space<semaphore_mem>>)
      %mul3A_616 = arith.constant 4 : i32
      %mul3A_617 = arith.muli %add3A_424, %mul3A_616 : i32
      %add3A_618 = arith.constant 3 : i32
      %add3A_619 = arith.addi %mul3A_617, %add3A_618 : i32
      %mul3A_620 = arith.constant 160 : i32
      %mul3A_621 = arith.muli %add3A_619, %mul3A_620 : i32
      %dma_wait3A_622 = arith.constant 3 : i32
      %dma_wait3A_623 = arith.constant 3 : i32
      %dma_wait3A_624 = arith.constant 0 : i32
      %dma_wait3A_625 = arith.constant 0 : i32
      %dma_wait3A_626 = tpu.memref_slice %arg6[%dma_wait3A_622, %dma_wait3A_624, %dma_wait3A_625] : memref<4x160x128xf32, #tpu.memory_space<vmem>> -> memref<1x160x128xf32, #tpu.memory_space<vmem>>
      %dma_wait3A_627 = tpu.memref_squeeze %dma_wait3A_626 : memref<1x160x128xf32, #tpu.memory_space<vmem>> -> memref<160x128xf32, #tpu.memory_space<vmem>>
      %dma_wait3A_628 = tpu.memref_slice %arg5[%mul3A_621] : memref<6400xi32, #tpu.memory_space<vmem>> -> memref<160xi32, #tpu.memory_space<vmem>>
      %dma_wait3A_629 = arith.constant 0 : i32
      %dma_wait3A_630 = arith.constant 0 : i32
      %dma_wait3A_631 = tpu.memref_slice %arg2[%dma_wait3A_629, %dma_wait3A_630] : memref<100000x128xf32, #tpu.memory_space<hbm>> -> memref<100000x128xf32, #tpu.memory_space<hbm>>
      %dma_wait3A_632 = tpu.memref_slice %arg8[%dma_wait3A_623] : memref<4x!tpu.dma_semaphore, #tpu.memory_space<semaphore_mem>> -> memref<1x!tpu.dma_semaphore, #tpu.memory_space<semaphore_mem>>
      %dma_wait3A_633 = tpu.memref_squeeze %dma_wait3A_632 : memref<1x!tpu.dma_semaphore, #tpu.memory_space<semaphore_mem>> -> memref<!tpu.dma_semaphore, #tpu.memory_space<semaphore_mem>>
      tpu.wait_indirect_dma semaphore(%dma_wait3A_633 : memref<!tpu.dma_semaphore, #tpu.memory_space<semaphore_mem>>) src(%dma_wait3A_631 : memref<100000x128xf32, #tpu.memory_space<hbm>>) dst(%dma_wait3A_627 : memref<160x128xf32, #tpu.memory_space<vmem>>)
      %sub3A_634 = arith.constant 2 : i32
      %sub3A_635 = arith.subi %add3A_619, %sub3A_634 : i32
      %mul3A_636 = arith.constant 160 : i32
      %mul3A_637 = arith.muli %sub3A_635, %mul3A_636 : i32
      %add3A_638 = arith.addi %mul3A_2, %mul3A_637 : i32
      %dma_wait3A_639 = arith.constant 1 : i32
      %dma_wait3A_640 = arith.constant 1 : i32
      %dma_wait3A_641 = tpu.memref_slice %arg9[%dma_wait3A_640] : memref<2x!tpu.dma_semaphore, #tpu.memory_space<semaphore_mem>> -> memref<1x!tpu.dma_semaphore, #tpu.memory_space<semaphore_mem>>
      %dma_wait3A_642 = tpu.memref_squeeze %dma_wait3A_641 : memref<1x!tpu.dma_semaphore, #tpu.memory_space<semaphore_mem>> -> memref<!tpu.dma_semaphore, #tpu.memory_space<semaphore_mem>>
      %dma_wait3A_643 = arith.constant 0 : i32
      %dma_wait3A_644 = tpu.memref_slice %arg4[%add3A_638, %dma_wait3A_643] : memref<204800x128xf32, #tpu.memory_space<hbm>> -> memref<160x128xf32, #tpu.memory_space<hbm>>
      %dma_wait3A_645 = arith.constant 0 : i32
      %dma_wait3A_646 = arith.constant 0 : i32
      %dma_wait3A_647 = tpu.memref_slice %arg7[%arg1, %dma_wait3A_639, %dma_wait3A_645, %dma_wait3A_646] : memref<16x2x160x128xf32, #tpu.memory_space<vmem_shared>> -> memref<1x1x160x128xf32, #tpu.memory_space<vmem_shared>>
      %dma_wait3A_648 = tpu.memref_squeeze %dma_wait3A_647 : memref<1x1x160x128xf32, #tpu.memory_space<vmem_shared>> -> memref<160x128xf32, #tpu.memory_space<vmem_shared>>
      tpu.wait_dma2 semaphore(%dma_wait3A_642 : memref<!tpu.dma_semaphore, #tpu.memory_space<semaphore_mem>>) src(%dma_wait3A_648 : memref<160x128xf32, #tpu.memory_space<vmem_shared>>) dst(%dma_wait3A_644 : memref<160x128xf32, #tpu.memory_space<hbm>>)
      %run_scoped3A_649 = arith.constant 3 : i32
      %run_scoped3A_650 = arith.constant 1 : i32
      "tpu.region"() ({
        %run_scoped3A_680 = tpu.sem_alloc : memref<!tpu.dma_semaphore, #tpu.memory_space<semaphore_mem>>
        %dma_start3A_681 = arith.constant 0 : i32
        %dma_start3A_682 = arith.constant 0 : i32
        %dma_start3A_683 = tpu.memref_slice %arg6[%run_scoped3A_649, %dma_start3A_681, %dma_start3A_682] : memref<4x160x128xf32, #tpu.memory_space<vmem>> -> memref<1x160x128xf32, #tpu.memory_space<vmem>>
        %dma_start3A_684 = tpu.memref_squeeze %dma_start3A_683 : memref<1x160x128xf32, #tpu.memory_space<vmem>> -> memref<160x128xf32, #tpu.memory_space<vmem>>
        %dma_start3A_685 = arith.constant 0 : i32
        %dma_start3A_686 = arith.constant 0 : i32
        %dma_start3A_687 = tpu.memref_slice %arg7[%arg1, %run_scoped3A_650, %dma_start3A_685, %dma_start3A_686] : memref<16x2x160x128xf32, #tpu.memory_space<vmem_shared>> -> memref<1x1x160x128xf32, #tpu.memory_space<vmem_shared>>
        %dma_start3A_688 = tpu.memref_squeeze %dma_start3A_687 : memref<1x1x160x128xf32, #tpu.memory_space<vmem_shared>> -> memref<160x128xf32, #tpu.memory_space<vmem_shared>>
        %dma_start3A_689 = arith.constant 0 : i32
        %dma_start3A_690 = arith.constant 0 : i32
        %dma_start3A_691 = tpu.memref_slice %arg7[%arg1, %run_scoped3A_650, %dma_start3A_689, %dma_start3A_690] : memref<16x2x160x128xf32, #tpu.memory_space<vmem_shared>> -> memref<1x1x160x128xf32, #tpu.memory_space<vmem_shared>>
        %dma_start3A_692 = tpu.memref_squeeze %dma_start3A_691 : memref<1x1x160x128xf32, #tpu.memory_space<vmem_shared>> -> memref<160x128xf32, #tpu.memory_space<vmem_shared>>
        %dma_start3A_693 = arith.constant 0 : i32
        %dma_start3A_694 = arith.constant 0 : i32
        %dma_start3A_695 = tpu.memref_slice %arg6[%run_scoped3A_649, %dma_start3A_693, %dma_start3A_694] : memref<4x160x128xf32, #tpu.memory_space<vmem>> -> memref<1x160x128xf32, #tpu.memory_space<vmem>>
        %dma_start3A_696 = tpu.memref_squeeze %dma_start3A_695 : memref<1x160x128xf32, #tpu.memory_space<vmem>> -> memref<160x128xf32, #tpu.memory_space<vmem>>
        tpu.enqueue_dma source(%dma_start3A_696 : memref<160x128xf32, #tpu.memory_space<vmem>>) target(%dma_start3A_692 : memref<160x128xf32, #tpu.memory_space<vmem_shared>>) target_semaphore(%run_scoped3A_680 : memref<!tpu.dma_semaphore, #tpu.memory_space<semaphore_mem>>)
        %dma_wait3A_697 = arith.constant 0 : i32
        %dma_wait3A_698 = arith.constant 0 : i32
        %dma_wait3A_699 = tpu.memref_slice %arg6[%run_scoped3A_649, %dma_wait3A_697, %dma_wait3A_698] : memref<4x160x128xf32, #tpu.memory_space<vmem>> -> memref<1x160x128xf32, #tpu.memory_space<vmem>>
        %dma_wait3A_700 = tpu.memref_squeeze %dma_wait3A_699 : memref<1x160x128xf32, #tpu.memory_space<vmem>> -> memref<160x128xf32, #tpu.memory_space<vmem>>
        %dma_wait3A_701 = arith.constant 0 : i32
        %dma_wait3A_702 = arith.constant 0 : i32
        %dma_wait3A_703 = tpu.memref_slice %arg7[%arg1, %run_scoped3A_650, %dma_wait3A_701, %dma_wait3A_702] : memref<16x2x160x128xf32, #tpu.memory_space<vmem_shared>> -> memref<1x1x160x128xf32, #tpu.memory_space<vmem_shared>>
        %dma_wait3A_704 = tpu.memref_squeeze %dma_wait3A_703 : memref<1x1x160x128xf32, #tpu.memory_space<vmem_shared>> -> memref<160x128xf32, #tpu.memory_space<vmem_shared>>
        %dma_wait3A_705 = arith.constant 0 : i32
        %dma_wait3A_706 = arith.constant 0 : i32
        %dma_wait3A_707 = tpu.memref_slice %arg7[%arg1, %run_scoped3A_650, %dma_wait3A_705, %dma_wait3A_706] : memref<16x2x160x128xf32, #tpu.memory_space<vmem_shared>> -> memref<1x1x160x128xf32, #tpu.memory_space<vmem_shared>>
        %dma_wait3A_708 = tpu.memref_squeeze %dma_wait3A_707 : memref<1x1x160x128xf32, #tpu.memory_space<vmem_shared>> -> memref<160x128xf32, #tpu.memory_space<vmem_shared>>
        %dma_wait3A_709 = arith.constant 0 : i32
        %dma_wait3A_710 = arith.constant 0 : i32
        %dma_wait3A_711 = tpu.memref_slice %arg6[%run_scoped3A_649, %dma_wait3A_709, %dma_wait3A_710] : memref<4x160x128xf32, #tpu.memory_space<vmem>> -> memref<1x160x128xf32, #tpu.memory_space<vmem>>
        %dma_wait3A_712 = tpu.memref_squeeze %dma_wait3A_711 : memref<1x160x128xf32, #tpu.memory_space<vmem>> -> memref<160x128xf32, #tpu.memory_space<vmem>>
        tpu.wait_dma2 semaphore(%run_scoped3A_680 : memref<!tpu.dma_semaphore, #tpu.memory_space<semaphore_mem>>) src(%dma_wait3A_712 : memref<160x128xf32, #tpu.memory_space<vmem>>) dst(%dma_wait3A_708 : memref<160x128xf32, #tpu.memory_space<vmem_shared>>)
        tpu.yield
      }) : () -> ()
      %add3A_651 = arith.constant 4 : i32
      %add3A_652 = arith.addi %add3A_619, %add3A_651 : i32
      %mul3A_653 = arith.constant 160 : i32
      %mul3A_654 = arith.muli %add3A_652, %mul3A_653 : i32
      %dma_start3A_655 = arith.constant 3 : i32
      %dma_start3A_656 = arith.constant 3 : i32
      %dma_start3A_657 = arith.constant 0 : i32
      %dma_start3A_658 = arith.constant 0 : i32
      %dma_start3A_659 = tpu.memref_slice %arg6[%dma_start3A_655, %dma_start3A_657, %dma_start3A_658] : memref<4x160x128xf32, #tpu.memory_space<vmem>> -> memref<1x160x128xf32, #tpu.memory_space<vmem>>
      %dma_start3A_660 = tpu.memref_squeeze %dma_start3A_659 : memref<1x160x128xf32, #tpu.memory_space<vmem>> -> memref<160x128xf32, #tpu.memory_space<vmem>>
      %dma_start3A_661 = tpu.memref_slice %arg5[%mul3A_654] : memref<6400xi32, #tpu.memory_space<vmem>> -> memref<160xi32, #tpu.memory_space<vmem>>
      %dma_start3A_662 = arith.constant 0 : i32
      %dma_start3A_663 = arith.constant 0 : i32
      %dma_start3A_664 = tpu.memref_slice %arg2[%dma_start3A_662, %dma_start3A_663] : memref<100000x128xf32, #tpu.memory_space<hbm>> -> memref<100000x128xf32, #tpu.memory_space<hbm>>
      %dma_start3A_665 = tpu.memref_slice %arg8[%dma_start3A_656] : memref<4x!tpu.dma_semaphore, #tpu.memory_space<semaphore_mem>> -> memref<1x!tpu.dma_semaphore, #tpu.memory_space<semaphore_mem>>
      %dma_start3A_666 = tpu.memref_squeeze %dma_start3A_665 : memref<1x!tpu.dma_semaphore, #tpu.memory_space<semaphore_mem>> -> memref<!tpu.dma_semaphore, #tpu.memory_space<semaphore_mem>>
      tpu.enqueue_indirect_dma source(%dma_start3A_664 : memref<100000x128xf32, #tpu.memory_space<hbm>>) target(%dma_start3A_660 : memref<160x128xf32, #tpu.memory_space<vmem>>) offsets(%dma_start3A_661 : memref<160xi32, #tpu.memory_space<vmem>>) semaphore(%dma_start3A_666 : memref<!tpu.dma_semaphore, #tpu.memory_space<semaphore_mem>>)
      %mul3A_667 = arith.constant 160 : i32
      %mul3A_668 = arith.muli %add3A_619, %mul3A_667 : i32
      %add3A_669 = arith.addi %mul3A_2, %mul3A_668 : i32
      %dma_start3A_670 = arith.constant 1 : i32
      %dma_start3A_671 = arith.constant 1 : i32
      %dma_start3A_672 = tpu.memref_slice %arg9[%dma_start3A_671] : memref<2x!tpu.dma_semaphore, #tpu.memory_space<semaphore_mem>> -> memref<1x!tpu.dma_semaphore, #tpu.memory_space<semaphore_mem>>
      %dma_start3A_673 = tpu.memref_squeeze %dma_start3A_672 : memref<1x!tpu.dma_semaphore, #tpu.memory_space<semaphore_mem>> -> memref<!tpu.dma_semaphore, #tpu.memory_space<semaphore_mem>>
      %dma_start3A_674 = arith.constant 0 : i32
      %dma_start3A_675 = tpu.memref_slice %arg4[%add3A_669, %dma_start3A_674] : memref<204800x128xf32, #tpu.memory_space<hbm>> -> memref<160x128xf32, #tpu.memory_space<hbm>>
      %dma_start3A_676 = arith.constant 0 : i32
      %dma_start3A_677 = arith.constant 0 : i32
      %dma_start3A_678 = tpu.memref_slice %arg7[%arg1, %dma_start3A_670, %dma_start3A_676, %dma_start3A_677] : memref<16x2x160x128xf32, #tpu.memory_space<vmem_shared>> -> memref<1x1x160x128xf32, #tpu.memory_space<vmem_shared>>
      %dma_start3A_679 = tpu.memref_squeeze %dma_start3A_678 : memref<1x1x160x128xf32, #tpu.memory_space<vmem_shared>> -> memref<160x128xf32, #tpu.memory_space<vmem_shared>>
      tpu.enqueue_dma source(%dma_start3A_679 : memref<160x128xf32, #tpu.memory_space<vmem_shared>>) target(%dma_start3A_675 : memref<160x128xf32, #tpu.memory_space<hbm>>) target_semaphore(%dma_start3A_673 : memref<!tpu.dma_semaphore, #tpu.memory_space<semaphore_mem>>)
    }
    %scan3A_239 = arith.constant 8 : i32
    %dma_wait3A_240 = arith.constant 0 : i32
    %dma_wait3A_241 = arith.constant 0 : i32
    %dma_wait3A_242 = arith.constant 0 : i32
    %dma_wait3A_243 = arith.constant 0 : i32
    %dma_wait3A_244 = tpu.memref_slice %arg6[%dma_wait3A_240, %dma_wait3A_242, %dma_wait3A_243] : memref<4x160x128xf32, #tpu.memory_space<vmem>> -> memref<1x160x128xf32, #tpu.memory_space<vmem>>
    %dma_wait3A_245 = tpu.memref_squeeze %dma_wait3A_244 : memref<1x160x128xf32, #tpu.memory_space<vmem>> -> memref<160x128xf32, #tpu.memory_space<vmem>>
    %dma_wait3A_246 = arith.constant 5760 : i32
    %dma_wait3A_247 = tpu.memref_slice %arg5[%dma_wait3A_246] : memref<6400xi32, #tpu.memory_space<vmem>> -> memref<160xi32, #tpu.memory_space<vmem>>
    %dma_wait3A_248 = arith.constant 0 : i32
    %dma_wait3A_249 = arith.constant 0 : i32
    %dma_wait3A_250 = tpu.memref_slice %arg2[%dma_wait3A_248, %dma_wait3A_249] : memref<100000x128xf32, #tpu.memory_space<hbm>> -> memref<100000x128xf32, #tpu.memory_space<hbm>>
    %dma_wait3A_251 = tpu.memref_slice %arg8[%dma_wait3A_241] : memref<4x!tpu.dma_semaphore, #tpu.memory_space<semaphore_mem>> -> memref<1x!tpu.dma_semaphore, #tpu.memory_space<semaphore_mem>>
    %dma_wait3A_252 = tpu.memref_squeeze %dma_wait3A_251 : memref<1x!tpu.dma_semaphore, #tpu.memory_space<semaphore_mem>> -> memref<!tpu.dma_semaphore, #tpu.memory_space<semaphore_mem>>
    tpu.wait_indirect_dma semaphore(%dma_wait3A_252 : memref<!tpu.dma_semaphore, #tpu.memory_space<semaphore_mem>>) src(%dma_wait3A_250 : memref<100000x128xf32, #tpu.memory_space<hbm>>) dst(%dma_wait3A_245 : memref<160x128xf32, #tpu.memory_space<vmem>>)
    %add3A_253 = arith.constant 5440 : i32
    %add3A_254 = arith.addi %mul3A_2, %add3A_253 : i32
    %dma_wait3A_255 = arith.constant 0 : i32
    %dma_wait3A_256 = arith.constant 0 : i32
    %dma_wait3A_257 = tpu.memref_slice %arg9[%dma_wait3A_256] : memref<2x!tpu.dma_semaphore, #tpu.memory_space<semaphore_mem>> -> memref<1x!tpu.dma_semaphore, #tpu.memory_space<semaphore_mem>>
    %dma_wait3A_258 = tpu.memref_squeeze %dma_wait3A_257 : memref<1x!tpu.dma_semaphore, #tpu.memory_space<semaphore_mem>> -> memref<!tpu.dma_semaphore, #tpu.memory_space<semaphore_mem>>
    %dma_wait3A_259 = arith.constant 0 : i32
    %dma_wait3A_260 = tpu.memref_slice %arg4[%add3A_254, %dma_wait3A_259] : memref<204800x128xf32, #tpu.memory_space<hbm>> -> memref<160x128xf32, #tpu.memory_space<hbm>>
    %dma_wait3A_261 = arith.constant 0 : i32
    %dma_wait3A_262 = arith.constant 0 : i32
    %dma_wait3A_263 = tpu.memref_slice %arg7[%arg1, %dma_wait3A_255, %dma_wait3A_261, %dma_wait3A_262] : memref<16x2x160x128xf32, #tpu.memory_space<vmem_shared>> -> memref<1x1x160x128xf32, #tpu.memory_space<vmem_shared>>
    %dma_wait3A_264 = tpu.memref_squeeze %dma_wait3A_263 : memref<1x1x160x128xf32, #tpu.memory_space<vmem_shared>> -> memref<160x128xf32, #tpu.memory_space<vmem_shared>>
    tpu.wait_dma2 semaphore(%dma_wait3A_258 : memref<!tpu.dma_semaphore, #tpu.memory_space<semaphore_mem>>) src(%dma_wait3A_264 : memref<160x128xf32, #tpu.memory_space<vmem_shared>>) dst(%dma_wait3A_260 : memref<160x128xf32, #tpu.memory_space<hbm>>)
    %run_scoped3A_265 = arith.constant 0 : i32
    %run_scoped3A_266 = arith.constant 0 : i32
    "tpu.region"() ({
      %run_scoped3A_420 = tpu.sem_alloc : memref<!tpu.dma_semaphore, #tpu.memory_space<semaphore_mem>>
      %dma_start3A_421 = arith.constant 0 : i32
      %dma_start3A_422 = arith.constant 0 : i32
      %dma_start3A_423 = tpu.memref_slice %arg6[%run_scoped3A_265, %dma_start3A_421, %dma_start3A_422] : memref<4x160x128xf32, #tpu.memory_space<vmem>> -> memref<1x160x128xf32, #tpu.memory_space<vmem>>
      %dma_start3A_424 = tpu.memref_squeeze %dma_start3A_423 : memref<1x160x128xf32, #tpu.memory_space<vmem>> -> memref<160x128xf32, #tpu.memory_space<vmem>>
      %dma_start3A_425 = arith.constant 0 : i32
      %dma_start3A_426 = arith.constant 0 : i32
      %dma_start3A_427 = tpu.memref_slice %arg7[%arg1, %run_scoped3A_266, %dma_start3A_425, %dma_start3A_426] : memref<16x2x160x128xf32, #tpu.memory_space<vmem_shared>> -> memref<1x1x160x128xf32, #tpu.memory_space<vmem_shared>>
      %dma_start3A_428 = tpu.memref_squeeze %dma_start3A_427 : memref<1x1x160x128xf32, #tpu.memory_space<vmem_shared>> -> memref<160x128xf32, #tpu.memory_space<vmem_shared>>
      %dma_start3A_429 = arith.constant 0 : i32
      %dma_start3A_430 = arith.constant 0 : i32
      %dma_start3A_431 = tpu.memref_slice %arg7[%arg1, %run_scoped3A_266, %dma_start3A_429, %dma_start3A_430] : memref<16x2x160x128xf32, #tpu.memory_space<vmem_shared>> -> memref<1x1x160x128xf32, #tpu.memory_space<vmem_shared>>
      %dma_start3A_432 = tpu.memref_squeeze %dma_start3A_431 : memref<1x1x160x128xf32, #tpu.memory_space<vmem_shared>> -> memref<160x128xf32, #tpu.memory_space<vmem_shared>>
      %dma_start3A_433 = arith.constant 0 : i32
      %dma_start3A_434 = arith.constant 0 : i32
      %dma_start3A_435 = tpu.memref_slice %arg6[%run_scoped3A_265, %dma_start3A_433, %dma_start3A_434] : memref<4x160x128xf32, #tpu.memory_space<vmem>> -> memref<1x160x128xf32, #tpu.memory_space<vmem>>
      %dma_start3A_436 = tpu.memref_squeeze %dma_start3A_435 : memref<1x160x128xf32, #tpu.memory_space<vmem>> -> memref<160x128xf32, #tpu.memory_space<vmem>>
      tpu.enqueue_dma source(%dma_start3A_436 : memref<160x128xf32, #tpu.memory_space<vmem>>) target(%dma_start3A_432 : memref<160x128xf32, #tpu.memory_space<vmem_shared>>) target_semaphore(%run_scoped3A_420 : memref<!tpu.dma_semaphore, #tpu.memory_space<semaphore_mem>>)
      %dma_wait3A_437 = arith.constant 0 : i32
      %dma_wait3A_438 = arith.constant 0 : i32
      %dma_wait3A_439 = tpu.memref_slice %arg6[%run_scoped3A_265, %dma_wait3A_437, %dma_wait3A_438] : memref<4x160x128xf32, #tpu.memory_space<vmem>> -> memref<1x160x128xf32, #tpu.memory_space<vmem>>
      %dma_wait3A_440 = tpu.memref_squeeze %dma_wait3A_439 : memref<1x160x128xf32, #tpu.memory_space<vmem>> -> memref<160x128xf32, #tpu.memory_space<vmem>>
      %dma_wait3A_441 = arith.constant 0 : i32
      %dma_wait3A_442 = arith.constant 0 : i32
      %dma_wait3A_443 = tpu.memref_slice %arg7[%arg1, %run_scoped3A_266, %dma_wait3A_441, %dma_wait3A_442] : memref<16x2x160x128xf32, #tpu.memory_space<vmem_shared>> -> memref<1x1x160x128xf32, #tpu.memory_space<vmem_shared>>
      %dma_wait3A_444 = tpu.memref_squeeze %dma_wait3A_443 : memref<1x1x160x128xf32, #tpu.memory_space<vmem_shared>> -> memref<160x128xf32, #tpu.memory_space<vmem_shared>>
      %dma_wait3A_445 = arith.constant 0 : i32
      %dma_wait3A_446 = arith.constant 0 : i32
      %dma_wait3A_447 = tpu.memref_slice %arg7[%arg1, %run_scoped3A_266, %dma_wait3A_445, %dma_wait3A_446] : memref<16x2x160x128xf32, #tpu.memory_space<vmem_shared>> -> memref<1x1x160x128xf32, #tpu.memory_space<vmem_shared>>
      %dma_wait3A_448 = tpu.memref_squeeze %dma_wait3A_447 : memref<1x1x160x128xf32, #tpu.memory_space<vmem_shared>> -> memref<160x128xf32, #tpu.memory_space<vmem_shared>>
      %dma_wait3A_449 = arith.constant 0 : i32
      %dma_wait3A_450 = arith.constant 0 : i32
      %dma_wait3A_451 = tpu.memref_slice %arg6[%run_scoped3A_265, %dma_wait3A_449, %dma_wait3A_450] : memref<4x160x128xf32, #tpu.memory_space<vmem>> -> memref<1x160x128xf32, #tpu.memory_space<vmem>>
      %dma_wait3A_452 = tpu.memref_squeeze %dma_wait3A_451 : memref<1x160x128xf32, #tpu.memory_space<vmem>> -> memref<160x128xf32, #tpu.memory_space<vmem>>
      tpu.wait_dma2 semaphore(%run_scoped3A_420 : memref<!tpu.dma_semaphore, #tpu.memory_space<semaphore_mem>>) src(%dma_wait3A_452 : memref<160x128xf32, #tpu.memory_space<vmem>>) dst(%dma_wait3A_448 : memref<160x128xf32, #tpu.memory_space<vmem_shared>>)
      tpu.yield
    }) : () -> ()
    %add3A_267 = arith.constant 5760 : i32
    %add3A_268 = arith.addi %mul3A_2, %add3A_267 : i32
    %dma_start3A_269 = arith.constant 0 : i32
    %dma_start3A_270 = arith.constant 0 : i32
    %dma_start3A_271 = tpu.memref_slice %arg9[%dma_start3A_270] : memref<2x!tpu.dma_semaphore, #tpu.memory_space<semaphore_mem>> -> memref<1x!tpu.dma_semaphore, #tpu.memory_space<semaphore_mem>>
    %dma_start3A_272 = tpu.memref_squeeze %dma_start3A_271 : memref<1x!tpu.dma_semaphore, #tpu.memory_space<semaphore_mem>> -> memref<!tpu.dma_semaphore, #tpu.memory_space<semaphore_mem>>
    %dma_start3A_273 = arith.constant 0 : i32
    %dma_start3A_274 = tpu.memref_slice %arg4[%add3A_268, %dma_start3A_273] : memref<204800x128xf32, #tpu.memory_space<hbm>> -> memref<160x128xf32, #tpu.memory_space<hbm>>
    %dma_start3A_275 = arith.constant 0 : i32
    %dma_start3A_276 = arith.constant 0 : i32
    %dma_start3A_277 = tpu.memref_slice %arg7[%arg1, %dma_start3A_269, %dma_start3A_275, %dma_start3A_276] : memref<16x2x160x128xf32, #tpu.memory_space<vmem_shared>> -> memref<1x1x160x128xf32, #tpu.memory_space<vmem_shared>>
    %dma_start3A_278 = tpu.memref_squeeze %dma_start3A_277 : memref<1x1x160x128xf32, #tpu.memory_space<vmem_shared>> -> memref<160x128xf32, #tpu.memory_space<vmem_shared>>
    tpu.enqueue_dma source(%dma_start3A_278 : memref<160x128xf32, #tpu.memory_space<vmem_shared>>) target(%dma_start3A_274 : memref<160x128xf32, #tpu.memory_space<hbm>>) target_semaphore(%dma_start3A_272 : memref<!tpu.dma_semaphore, #tpu.memory_space<semaphore_mem>>)
    %dma_wait3A_279 = arith.constant 1 : i32
    %dma_wait3A_280 = arith.constant 1 : i32
    %dma_wait3A_281 = arith.constant 0 : i32
    %dma_wait3A_282 = arith.constant 0 : i32
    %dma_wait3A_283 = tpu.memref_slice %arg6[%dma_wait3A_279, %dma_wait3A_281, %dma_wait3A_282] : memref<4x160x128xf32, #tpu.memory_space<vmem>> -> memref<1x160x128xf32, #tpu.memory_space<vmem>>
    %dma_wait3A_284 = tpu.memref_squeeze %dma_wait3A_283 : memref<1x160x128xf32, #tpu.memory_space<vmem>> -> memref<160x128xf32, #tpu.memory_space<vmem>>
    %dma_wait3A_285 = arith.constant 5920 : i32
    %dma_wait3A_286 = tpu.memref_slice %arg5[%dma_wait3A_285] : memref<6400xi32, #tpu.memory_space<vmem>> -> memref<160xi32, #tpu.memory_space<vmem>>
    %dma_wait3A_287 = arith.constant 0 : i32
    %dma_wait3A_288 = arith.constant 0 : i32
    %dma_wait3A_289 = tpu.memref_slice %arg2[%dma_wait3A_287, %dma_wait3A_288] : memref<100000x128xf32, #tpu.memory_space<hbm>> -> memref<100000x128xf32, #tpu.memory_space<hbm>>
    %dma_wait3A_290 = tpu.memref_slice %arg8[%dma_wait3A_280] : memref<4x!tpu.dma_semaphore, #tpu.memory_space<semaphore_mem>> -> memref<1x!tpu.dma_semaphore, #tpu.memory_space<semaphore_mem>>
    %dma_wait3A_291 = tpu.memref_squeeze %dma_wait3A_290 : memref<1x!tpu.dma_semaphore, #tpu.memory_space<semaphore_mem>> -> memref<!tpu.dma_semaphore, #tpu.memory_space<semaphore_mem>>
    tpu.wait_indirect_dma semaphore(%dma_wait3A_291 : memref<!tpu.dma_semaphore, #tpu.memory_space<semaphore_mem>>) src(%dma_wait3A_289 : memref<100000x128xf32, #tpu.memory_space<hbm>>) dst(%dma_wait3A_284 : memref<160x128xf32, #tpu.memory_space<vmem>>)
    %add3A_292 = arith.constant 5600 : i32
    %add3A_293 = arith.addi %mul3A_2, %add3A_292 : i32
    %dma_wait3A_294 = arith.constant 1 : i32
    %dma_wait3A_295 = arith.constant 1 : i32
    %dma_wait3A_296 = tpu.memref_slice %arg9[%dma_wait3A_295] : memref<2x!tpu.dma_semaphore, #tpu.memory_space<semaphore_mem>> -> memref<1x!tpu.dma_semaphore, #tpu.memory_space<semaphore_mem>>
    %dma_wait3A_297 = tpu.memref_squeeze %dma_wait3A_296 : memref<1x!tpu.dma_semaphore, #tpu.memory_space<semaphore_mem>> -> memref<!tpu.dma_semaphore, #tpu.memory_space<semaphore_mem>>
    %dma_wait3A_298 = arith.constant 0 : i32
    %dma_wait3A_299 = tpu.memref_slice %arg4[%add3A_293, %dma_wait3A_298] : memref<204800x128xf32, #tpu.memory_space<hbm>> -> memref<160x128xf32, #tpu.memory_space<hbm>>
    %dma_wait3A_300 = arith.constant 0 : i32
    %dma_wait3A_301 = arith.constant 0 : i32
    %dma_wait3A_302 = tpu.memref_slice %arg7[%arg1, %dma_wait3A_294, %dma_wait3A_300, %dma_wait3A_301] : memref<16x2x160x128xf32, #tpu.memory_space<vmem_shared>> -> memref<1x1x160x128xf32, #tpu.memory_space<vmem_shared>>
    %dma_wait3A_303 = tpu.memref_squeeze %dma_wait3A_302 : memref<1x1x160x128xf32, #tpu.memory_space<vmem_shared>> -> memref<160x128xf32, #tpu.memory_space<vmem_shared>>
    tpu.wait_dma2 semaphore(%dma_wait3A_297 : memref<!tpu.dma_semaphore, #tpu.memory_space<semaphore_mem>>) src(%dma_wait3A_303 : memref<160x128xf32, #tpu.memory_space<vmem_shared>>) dst(%dma_wait3A_299 : memref<160x128xf32, #tpu.memory_space<hbm>>)
    %run_scoped3A_304 = arith.constant 1 : i32
    %run_scoped3A_305 = arith.constant 1 : i32
    "tpu.region"() ({
      %run_scoped3A_420 = tpu.sem_alloc : memref<!tpu.dma_semaphore, #tpu.memory_space<semaphore_mem>>
      %dma_start3A_421 = arith.constant 0 : i32
      %dma_start3A_422 = arith.constant 0 : i32
      %dma_start3A_423 = tpu.memref_slice %arg6[%run_scoped3A_304, %dma_start3A_421, %dma_start3A_422] : memref<4x160x128xf32, #tpu.memory_space<vmem>> -> memref<1x160x128xf32, #tpu.memory_space<vmem>>
      %dma_start3A_424 = tpu.memref_squeeze %dma_start3A_423 : memref<1x160x128xf32, #tpu.memory_space<vmem>> -> memref<160x128xf32, #tpu.memory_space<vmem>>
      %dma_start3A_425 = arith.constant 0 : i32
      %dma_start3A_426 = arith.constant 0 : i32
      %dma_start3A_427 = tpu.memref_slice %arg7[%arg1, %run_scoped3A_305, %dma_start3A_425, %dma_start3A_426] : memref<16x2x160x128xf32, #tpu.memory_space<vmem_shared>> -> memref<1x1x160x128xf32, #tpu.memory_space<vmem_shared>>
      %dma_start3A_428 = tpu.memref_squeeze %dma_start3A_427 : memref<1x1x160x128xf32, #tpu.memory_space<vmem_shared>> -> memref<160x128xf32, #tpu.memory_space<vmem_shared>>
      %dma_start3A_429 = arith.constant 0 : i32
      %dma_start3A_430 = arith.constant 0 : i32
      %dma_start3A_431 = tpu.memref_slice %arg7[%arg1, %run_scoped3A_305, %dma_start3A_429, %dma_start3A_430] : memref<16x2x160x128xf32, #tpu.memory_space<vmem_shared>> -> memref<1x1x160x128xf32, #tpu.memory_space<vmem_shared>>
      %dma_start3A_432 = tpu.memref_squeeze %dma_start3A_431 : memref<1x1x160x128xf32, #tpu.memory_space<vmem_shared>> -> memref<160x128xf32, #tpu.memory_space<vmem_shared>>
      %dma_start3A_433 = arith.constant 0 : i32
      %dma_start3A_434 = arith.constant 0 : i32
      %dma_start3A_435 = tpu.memref_slice %arg6[%run_scoped3A_304, %dma_start3A_433, %dma_start3A_434] : memref<4x160x128xf32, #tpu.memory_space<vmem>> -> memref<1x160x128xf32, #tpu.memory_space<vmem>>
      %dma_start3A_436 = tpu.memref_squeeze %dma_start3A_435 : memref<1x160x128xf32, #tpu.memory_space<vmem>> -> memref<160x128xf32, #tpu.memory_space<vmem>>
      tpu.enqueue_dma source(%dma_start3A_436 : memref<160x128xf32, #tpu.memory_space<vmem>>) target(%dma_start3A_432 : memref<160x128xf32, #tpu.memory_space<vmem_shared>>) target_semaphore(%run_scoped3A_420 : memref<!tpu.dma_semaphore, #tpu.memory_space<semaphore_mem>>)
      %dma_wait3A_437 = arith.constant 0 : i32
      %dma_wait3A_438 = arith.constant 0 : i32
      %dma_wait3A_439 = tpu.memref_slice %arg6[%run_scoped3A_304, %dma_wait3A_437, %dma_wait3A_438] : memref<4x160x128xf32, #tpu.memory_space<vmem>> -> memref<1x160x128xf32, #tpu.memory_space<vmem>>
      %dma_wait3A_440 = tpu.memref_squeeze %dma_wait3A_439 : memref<1x160x128xf32, #tpu.memory_space<vmem>> -> memref<160x128xf32, #tpu.memory_space<vmem>>
      %dma_wait3A_441 = arith.constant 0 : i32
      %dma_wait3A_442 = arith.constant 0 : i32
      %dma_wait3A_443 = tpu.memref_slice %arg7[%arg1, %run_scoped3A_305, %dma_wait3A_441, %dma_wait3A_442] : memref<16x2x160x128xf32, #tpu.memory_space<vmem_shared>> -> memref<1x1x160x128xf32, #tpu.memory_space<vmem_shared>>
      %dma_wait3A_444 = tpu.memref_squeeze %dma_wait3A_443 : memref<1x1x160x128xf32, #tpu.memory_space<vmem_shared>> -> memref<160x128xf32, #tpu.memory_space<vmem_shared>>
      %dma_wait3A_445 = arith.constant 0 : i32
      %dma_wait3A_446 = arith.constant 0 : i32
      %dma_wait3A_447 = tpu.memref_slice %arg7[%arg1, %run_scoped3A_305, %dma_wait3A_445, %dma_wait3A_446] : memref<16x2x160x128xf32, #tpu.memory_space<vmem_shared>> -> memref<1x1x160x128xf32, #tpu.memory_space<vmem_shared>>
      %dma_wait3A_448 = tpu.memref_squeeze %dma_wait3A_447 : memref<1x1x160x128xf32, #tpu.memory_space<vmem_shared>> -> memref<160x128xf32, #tpu.memory_space<vmem_shared>>
      %dma_wait3A_449 = arith.constant 0 : i32
      %dma_wait3A_450 = arith.constant 0 : i32
      %dma_wait3A_451 = tpu.memref_slice %arg6[%run_scoped3A_304, %dma_wait3A_449, %dma_wait3A_450] : memref<4x160x128xf32, #tpu.memory_space<vmem>> -> memref<1x160x128xf32, #tpu.memory_space<vmem>>
      %dma_wait3A_452 = tpu.memref_squeeze %dma_wait3A_451 : memref<1x160x128xf32, #tpu.memory_space<vmem>> -> memref<160x128xf32, #tpu.memory_space<vmem>>
      tpu.wait_dma2 semaphore(%run_scoped3A_420 : memref<!tpu.dma_semaphore, #tpu.memory_space<semaphore_mem>>) src(%dma_wait3A_452 : memref<160x128xf32, #tpu.memory_space<vmem>>) dst(%dma_wait3A_448 : memref<160x128xf32, #tpu.memory_space<vmem_shared>>)
      tpu.yield
    }) : () -> ()
    %add3A_306 = arith.constant 5920 : i32
    %add3A_307 = arith.addi %mul3A_2, %add3A_306 : i32
    %dma_start3A_308 = arith.constant 1 : i32
    %dma_start3A_309 = arith.constant 1 : i32
    %dma_start3A_310 = tpu.memref_slice %arg9[%dma_start3A_309] : memref<2x!tpu.dma_semaphore, #tpu.memory_space<semaphore_mem>> -> memref<1x!tpu.dma_semaphore, #tpu.memory_space<semaphore_mem>>
    %dma_start3A_311 = tpu.memref_squeeze %dma_start3A_310 : memref<1x!tpu.dma_semaphore, #tpu.memory_space<semaphore_mem>> -> memref<!tpu.dma_semaphore, #tpu.memory_space<semaphore_mem>>
    %dma_start3A_312 = arith.constant 0 : i32
    %dma_start3A_313 = tpu.memref_slice %arg4[%add3A_307, %dma_start3A_312] : memref<204800x128xf32, #tpu.memory_space<hbm>> -> memref<160x128xf32, #tpu.memory_space<hbm>>
    %dma_start3A_314 = arith.constant 0 : i32
    %dma_start3A_315 = arith.constant 0 : i32
    %dma_start3A_316 = tpu.memref_slice %arg7[%arg1, %dma_start3A_308, %dma_start3A_314, %dma_start3A_315] : memref<16x2x160x128xf32, #tpu.memory_space<vmem_shared>> -> memref<1x1x160x128xf32, #tpu.memory_space<vmem_shared>>
    %dma_start3A_317 = tpu.memref_squeeze %dma_start3A_316 : memref<1x1x160x128xf32, #tpu.memory_space<vmem_shared>> -> memref<160x128xf32, #tpu.memory_space<vmem_shared>>
    tpu.enqueue_dma source(%dma_start3A_317 : memref<160x128xf32, #tpu.memory_space<vmem_shared>>) target(%dma_start3A_313 : memref<160x128xf32, #tpu.memory_space<hbm>>) target_semaphore(%dma_start3A_311 : memref<!tpu.dma_semaphore, #tpu.memory_space<semaphore_mem>>)
    %dma_wait3A_318 = arith.constant 2 : i32
    %dma_wait3A_319 = arith.constant 2 : i32
    %dma_wait3A_320 = arith.constant 0 : i32
    %dma_wait3A_321 = arith.constant 0 : i32
    %dma_wait3A_322 = tpu.memref_slice %arg6[%dma_wait3A_318, %dma_wait3A_320, %dma_wait3A_321] : memref<4x160x128xf32, #tpu.memory_space<vmem>> -> memref<1x160x128xf32, #tpu.memory_space<vmem>>
    %dma_wait3A_323 = tpu.memref_squeeze %dma_wait3A_322 : memref<1x160x128xf32, #tpu.memory_space<vmem>> -> memref<160x128xf32, #tpu.memory_space<vmem>>
    %dma_wait3A_324 = arith.constant 6080 : i32
    %dma_wait3A_325 = tpu.memref_slice %arg5[%dma_wait3A_324] : memref<6400xi32, #tpu.memory_space<vmem>> -> memref<160xi32, #tpu.memory_space<vmem>>
    %dma_wait3A_326 = arith.constant 0 : i32
    %dma_wait3A_327 = arith.constant 0 : i32
    %dma_wait3A_328 = tpu.memref_slice %arg2[%dma_wait3A_326, %dma_wait3A_327] : memref<100000x128xf32, #tpu.memory_space<hbm>> -> memref<100000x128xf32, #tpu.memory_space<hbm>>
    %dma_wait3A_329 = tpu.memref_slice %arg8[%dma_wait3A_319] : memref<4x!tpu.dma_semaphore, #tpu.memory_space<semaphore_mem>> -> memref<1x!tpu.dma_semaphore, #tpu.memory_space<semaphore_mem>>
    %dma_wait3A_330 = tpu.memref_squeeze %dma_wait3A_329 : memref<1x!tpu.dma_semaphore, #tpu.memory_space<semaphore_mem>> -> memref<!tpu.dma_semaphore, #tpu.memory_space<semaphore_mem>>
    tpu.wait_indirect_dma semaphore(%dma_wait3A_330 : memref<!tpu.dma_semaphore, #tpu.memory_space<semaphore_mem>>) src(%dma_wait3A_328 : memref<100000x128xf32, #tpu.memory_space<hbm>>) dst(%dma_wait3A_323 : memref<160x128xf32, #tpu.memory_space<vmem>>)
    %add3A_331 = arith.constant 5760 : i32
    %add3A_332 = arith.addi %mul3A_2, %add3A_331 : i32
    %dma_wait3A_333 = arith.constant 0 : i32
    %dma_wait3A_334 = arith.constant 0 : i32
    %dma_wait3A_335 = tpu.memref_slice %arg9[%dma_wait3A_334] : memref<2x!tpu.dma_semaphore, #tpu.memory_space<semaphore_mem>> -> memref<1x!tpu.dma_semaphore, #tpu.memory_space<semaphore_mem>>
    %dma_wait3A_336 = tpu.memref_squeeze %dma_wait3A_335 : memref<1x!tpu.dma_semaphore, #tpu.memory_space<semaphore_mem>> -> memref<!tpu.dma_semaphore, #tpu.memory_space<semaphore_mem>>
    %dma_wait3A_337 = arith.constant 0 : i32
    %dma_wait3A_338 = tpu.memref_slice %arg4[%add3A_332, %dma_wait3A_337] : memref<204800x128xf32, #tpu.memory_space<hbm>> -> memref<160x128xf32, #tpu.memory_space<hbm>>
    %dma_wait3A_339 = arith.constant 0 : i32
    %dma_wait3A_340 = arith.constant 0 : i32
    %dma_wait3A_341 = tpu.memref_slice %arg7[%arg1, %dma_wait3A_333, %dma_wait3A_339, %dma_wait3A_340] : memref<16x2x160x128xf32, #tpu.memory_space<vmem_shared>> -> memref<1x1x160x128xf32, #tpu.memory_space<vmem_shared>>
    %dma_wait3A_342 = tpu.memref_squeeze %dma_wait3A_341 : memref<1x1x160x128xf32, #tpu.memory_space<vmem_shared>> -> memref<160x128xf32, #tpu.memory_space<vmem_shared>>
    tpu.wait_dma2 semaphore(%dma_wait3A_336 : memref<!tpu.dma_semaphore, #tpu.memory_space<semaphore_mem>>) src(%dma_wait3A_342 : memref<160x128xf32, #tpu.memory_space<vmem_shared>>) dst(%dma_wait3A_338 : memref<160x128xf32, #tpu.memory_space<hbm>>)
    %run_scoped3A_343 = arith.constant 2 : i32
    %run_scoped3A_344 = arith.constant 0 : i32
    "tpu.region"() ({
      %run_scoped3A_420 = tpu.sem_alloc : memref<!tpu.dma_semaphore, #tpu.memory_space<semaphore_mem>>
      %dma_start3A_421 = arith.constant 0 : i32
      %dma_start3A_422 = arith.constant 0 : i32
      %dma_start3A_423 = tpu.memref_slice %arg6[%run_scoped3A_343, %dma_start3A_421, %dma_start3A_422] : memref<4x160x128xf32, #tpu.memory_space<vmem>> -> memref<1x160x128xf32, #tpu.memory_space<vmem>>
      %dma_start3A_424 = tpu.memref_squeeze %dma_start3A_423 : memref<1x160x128xf32, #tpu.memory_space<vmem>> -> memref<160x128xf32, #tpu.memory_space<vmem>>
      %dma_start3A_425 = arith.constant 0 : i32
      %dma_start3A_426 = arith.constant 0 : i32
      %dma_start3A_427 = tpu.memref_slice %arg7[%arg1, %run_scoped3A_344, %dma_start3A_425, %dma_start3A_426] : memref<16x2x160x128xf32, #tpu.memory_space<vmem_shared>> -> memref<1x1x160x128xf32, #tpu.memory_space<vmem_shared>>
      %dma_start3A_428 = tpu.memref_squeeze %dma_start3A_427 : memref<1x1x160x128xf32, #tpu.memory_space<vmem_shared>> -> memref<160x128xf32, #tpu.memory_space<vmem_shared>>
      %dma_start3A_429 = arith.constant 0 : i32
      %dma_start3A_430 = arith.constant 0 : i32
      %dma_start3A_431 = tpu.memref_slice %arg7[%arg1, %run_scoped3A_344, %dma_start3A_429, %dma_start3A_430] : memref<16x2x160x128xf32, #tpu.memory_space<vmem_shared>> -> memref<1x1x160x128xf32, #tpu.memory_space<vmem_shared>>
      %dma_start3A_432 = tpu.memref_squeeze %dma_start3A_431 : memref<1x1x160x128xf32, #tpu.memory_space<vmem_shared>> -> memref<160x128xf32, #tpu.memory_space<vmem_shared>>
      %dma_start3A_433 = arith.constant 0 : i32
      %dma_start3A_434 = arith.constant 0 : i32
      %dma_start3A_435 = tpu.memref_slice %arg6[%run_scoped3A_343, %dma_start3A_433, %dma_start3A_434] : memref<4x160x128xf32, #tpu.memory_space<vmem>> -> memref<1x160x128xf32, #tpu.memory_space<vmem>>
      %dma_start3A_436 = tpu.memref_squeeze %dma_start3A_435 : memref<1x160x128xf32, #tpu.memory_space<vmem>> -> memref<160x128xf32, #tpu.memory_space<vmem>>
      tpu.enqueue_dma source(%dma_start3A_436 : memref<160x128xf32, #tpu.memory_space<vmem>>) target(%dma_start3A_432 : memref<160x128xf32, #tpu.memory_space<vmem_shared>>) target_semaphore(%run_scoped3A_420 : memref<!tpu.dma_semaphore, #tpu.memory_space<semaphore_mem>>)
      %dma_wait3A_437 = arith.constant 0 : i32
      %dma_wait3A_438 = arith.constant 0 : i32
      %dma_wait3A_439 = tpu.memref_slice %arg6[%run_scoped3A_343, %dma_wait3A_437, %dma_wait3A_438] : memref<4x160x128xf32, #tpu.memory_space<vmem>> -> memref<1x160x128xf32, #tpu.memory_space<vmem>>
      %dma_wait3A_440 = tpu.memref_squeeze %dma_wait3A_439 : memref<1x160x128xf32, #tpu.memory_space<vmem>> -> memref<160x128xf32, #tpu.memory_space<vmem>>
      %dma_wait3A_441 = arith.constant 0 : i32
      %dma_wait3A_442 = arith.constant 0 : i32
      %dma_wait3A_443 = tpu.memref_slice %arg7[%arg1, %run_scoped3A_344, %dma_wait3A_441, %dma_wait3A_442] : memref<16x2x160x128xf32, #tpu.memory_space<vmem_shared>> -> memref<1x1x160x128xf32, #tpu.memory_space<vmem_shared>>
      %dma_wait3A_444 = tpu.memref_squeeze %dma_wait3A_443 : memref<1x1x160x128xf32, #tpu.memory_space<vmem_shared>> -> memref<160x128xf32, #tpu.memory_space<vmem_shared>>
      %dma_wait3A_445 = arith.constant 0 : i32
      %dma_wait3A_446 = arith.constant 0 : i32
      %dma_wait3A_447 = tpu.memref_slice %arg7[%arg1, %run_scoped3A_344, %dma_wait3A_445, %dma_wait3A_446] : memref<16x2x160x128xf32, #tpu.memory_space<vmem_shared>> -> memref<1x1x160x128xf32, #tpu.memory_space<vmem_shared>>
      %dma_wait3A_448 = tpu.memref_squeeze %dma_wait3A_447 : memref<1x1x160x128xf32, #tpu.memory_space<vmem_shared>> -> memref<160x128xf32, #tpu.memory_space<vmem_shared>>
      %dma_wait3A_449 = arith.constant 0 : i32
      %dma_wait3A_450 = arith.constant 0 : i32
      %dma_wait3A_451 = tpu.memref_slice %arg6[%run_scoped3A_343, %dma_wait3A_449, %dma_wait3A_450] : memref<4x160x128xf32, #tpu.memory_space<vmem>> -> memref<1x160x128xf32, #tpu.memory_space<vmem>>
      %dma_wait3A_452 = tpu.memref_squeeze %dma_wait3A_451 : memref<1x160x128xf32, #tpu.memory_space<vmem>> -> memref<160x128xf32, #tpu.memory_space<vmem>>
      tpu.wait_dma2 semaphore(%run_scoped3A_420 : memref<!tpu.dma_semaphore, #tpu.memory_space<semaphore_mem>>) src(%dma_wait3A_452 : memref<160x128xf32, #tpu.memory_space<vmem>>) dst(%dma_wait3A_448 : memref<160x128xf32, #tpu.memory_space<vmem_shared>>)
      tpu.yield
    }) : () -> ()
    %add3A_345 = arith.constant 6080 : i32
    %add3A_346 = arith.addi %mul3A_2, %add3A_345 : i32
    %dma_start3A_347 = arith.constant 0 : i32
    %dma_start3A_348 = arith.constant 0 : i32
    %dma_start3A_349 = tpu.memref_slice %arg9[%dma_start3A_348] : memref<2x!tpu.dma_semaphore, #tpu.memory_space<semaphore_mem>> -> memref<1x!tpu.dma_semaphore, #tpu.memory_space<semaphore_mem>>
    %dma_start3A_350 = tpu.memref_squeeze %dma_start3A_349 : memref<1x!tpu.dma_semaphore, #tpu.memory_space<semaphore_mem>> -> memref<!tpu.dma_semaphore, #tpu.memory_space<semaphore_mem>>
    %dma_start3A_351 = arith.constant 0 : i32
    %dma_start3A_352 = tpu.memref_slice %arg4[%add3A_346, %dma_start3A_351] : memref<204800x128xf32, #tpu.memory_space<hbm>> -> memref<160x128xf32, #tpu.memory_space<hbm>>
    %dma_start3A_353 = arith.constant 0 : i32
    %dma_start3A_354 = arith.constant 0 : i32
    %dma_start3A_355 = tpu.memref_slice %arg7[%arg1, %dma_start3A_347, %dma_start3A_353, %dma_start3A_354] : memref<16x2x160x128xf32, #tpu.memory_space<vmem_shared>> -> memref<1x1x160x128xf32, #tpu.memory_space<vmem_shared>>
    %dma_start3A_356 = tpu.memref_squeeze %dma_start3A_355 : memref<1x1x160x128xf32, #tpu.memory_space<vmem_shared>> -> memref<160x128xf32, #tpu.memory_space<vmem_shared>>
    tpu.enqueue_dma source(%dma_start3A_356 : memref<160x128xf32, #tpu.memory_space<vmem_shared>>) target(%dma_start3A_352 : memref<160x128xf32, #tpu.memory_space<hbm>>) target_semaphore(%dma_start3A_350 : memref<!tpu.dma_semaphore, #tpu.memory_space<semaphore_mem>>)
    %dma_wait3A_357 = arith.constant 3 : i32
    %dma_wait3A_358 = arith.constant 3 : i32
    %dma_wait3A_359 = arith.constant 0 : i32
    %dma_wait3A_360 = arith.constant 0 : i32
    %dma_wait3A_361 = tpu.memref_slice %arg6[%dma_wait3A_357, %dma_wait3A_359, %dma_wait3A_360] : memref<4x160x128xf32, #tpu.memory_space<vmem>> -> memref<1x160x128xf32, #tpu.memory_space<vmem>>
    %dma_wait3A_362 = tpu.memref_squeeze %dma_wait3A_361 : memref<1x160x128xf32, #tpu.memory_space<vmem>> -> memref<160x128xf32, #tpu.memory_space<vmem>>
    %dma_wait3A_363 = arith.constant 6240 : i32
    %dma_wait3A_364 = tpu.memref_slice %arg5[%dma_wait3A_363] : memref<6400xi32, #tpu.memory_space<vmem>> -> memref<160xi32, #tpu.memory_space<vmem>>
    %dma_wait3A_365 = arith.constant 0 : i32
    %dma_wait3A_366 = arith.constant 0 : i32
    %dma_wait3A_367 = tpu.memref_slice %arg2[%dma_wait3A_365, %dma_wait3A_366] : memref<100000x128xf32, #tpu.memory_space<hbm>> -> memref<100000x128xf32, #tpu.memory_space<hbm>>
    %dma_wait3A_368 = tpu.memref_slice %arg8[%dma_wait3A_358] : memref<4x!tpu.dma_semaphore, #tpu.memory_space<semaphore_mem>> -> memref<1x!tpu.dma_semaphore, #tpu.memory_space<semaphore_mem>>
    %dma_wait3A_369 = tpu.memref_squeeze %dma_wait3A_368 : memref<1x!tpu.dma_semaphore, #tpu.memory_space<semaphore_mem>> -> memref<!tpu.dma_semaphore, #tpu.memory_space<semaphore_mem>>
    tpu.wait_indirect_dma semaphore(%dma_wait3A_369 : memref<!tpu.dma_semaphore, #tpu.memory_space<semaphore_mem>>) src(%dma_wait3A_367 : memref<100000x128xf32, #tpu.memory_space<hbm>>) dst(%dma_wait3A_362 : memref<160x128xf32, #tpu.memory_space<vmem>>)
    %add3A_370 = arith.constant 5920 : i32
    %add3A_371 = arith.addi %mul3A_2, %add3A_370 : i32
    %dma_wait3A_372 = arith.constant 1 : i32
    %dma_wait3A_373 = arith.constant 1 : i32
    %dma_wait3A_374 = tpu.memref_slice %arg9[%dma_wait3A_373] : memref<2x!tpu.dma_semaphore, #tpu.memory_space<semaphore_mem>> -> memref<1x!tpu.dma_semaphore, #tpu.memory_space<semaphore_mem>>
    %dma_wait3A_375 = tpu.memref_squeeze %dma_wait3A_374 : memref<1x!tpu.dma_semaphore, #tpu.memory_space<semaphore_mem>> -> memref<!tpu.dma_semaphore, #tpu.memory_space<semaphore_mem>>
    %dma_wait3A_376 = arith.constant 0 : i32
    %dma_wait3A_377 = tpu.memref_slice %arg4[%add3A_371, %dma_wait3A_376] : memref<204800x128xf32, #tpu.memory_space<hbm>> -> memref<160x128xf32, #tpu.memory_space<hbm>>
    %dma_wait3A_378 = arith.constant 0 : i32
    %dma_wait3A_379 = arith.constant 0 : i32
    %dma_wait3A_380 = tpu.memref_slice %arg7[%arg1, %dma_wait3A_372, %dma_wait3A_378, %dma_wait3A_379] : memref<16x2x160x128xf32, #tpu.memory_space<vmem_shared>> -> memref<1x1x160x128xf32, #tpu.memory_space<vmem_shared>>
    %dma_wait3A_381 = tpu.memref_squeeze %dma_wait3A_380 : memref<1x1x160x128xf32, #tpu.memory_space<vmem_shared>> -> memref<160x128xf32, #tpu.memory_space<vmem_shared>>
    tpu.wait_dma2 semaphore(%dma_wait3A_375 : memref<!tpu.dma_semaphore, #tpu.memory_space<semaphore_mem>>) src(%dma_wait3A_381 : memref<160x128xf32, #tpu.memory_space<vmem_shared>>) dst(%dma_wait3A_377 : memref<160x128xf32, #tpu.memory_space<hbm>>)
    %run_scoped3A_382 = arith.constant 3 : i32
    %run_scoped3A_383 = arith.constant 1 : i32
    "tpu.region"() ({
      %run_scoped3A_420 = tpu.sem_alloc : memref<!tpu.dma_semaphore, #tpu.memory_space<semaphore_mem>>
      %dma_start3A_421 = arith.constant 0 : i32
      %dma_start3A_422 = arith.constant 0 : i32
      %dma_start3A_423 = tpu.memref_slice %arg6[%run_scoped3A_382, %dma_start3A_421, %dma_start3A_422] : memref<4x160x128xf32, #tpu.memory_space<vmem>> -> memref<1x160x128xf32, #tpu.memory_space<vmem>>
      %dma_start3A_424 = tpu.memref_squeeze %dma_start3A_423 : memref<1x160x128xf32, #tpu.memory_space<vmem>> -> memref<160x128xf32, #tpu.memory_space<vmem>>
      %dma_start3A_425 = arith.constant 0 : i32
      %dma_start3A_426 = arith.constant 0 : i32
      %dma_start3A_427 = tpu.memref_slice %arg7[%arg1, %run_scoped3A_383, %dma_start3A_425, %dma_start3A_426] : memref<16x2x160x128xf32, #tpu.memory_space<vmem_shared>> -> memref<1x1x160x128xf32, #tpu.memory_space<vmem_shared>>
      %dma_start3A_428 = tpu.memref_squeeze %dma_start3A_427 : memref<1x1x160x128xf32, #tpu.memory_space<vmem_shared>> -> memref<160x128xf32, #tpu.memory_space<vmem_shared>>
      %dma_start3A_429 = arith.constant 0 : i32
      %dma_start3A_430 = arith.constant 0 : i32
      %dma_start3A_431 = tpu.memref_slice %arg7[%arg1, %run_scoped3A_383, %dma_start3A_429, %dma_start3A_430] : memref<16x2x160x128xf32, #tpu.memory_space<vmem_shared>> -> memref<1x1x160x128xf32, #tpu.memory_space<vmem_shared>>
      %dma_start3A_432 = tpu.memref_squeeze %dma_start3A_431 : memref<1x1x160x128xf32, #tpu.memory_space<vmem_shared>> -> memref<160x128xf32, #tpu.memory_space<vmem_shared>>
      %dma_start3A_433 = arith.constant 0 : i32
      %dma_start3A_434 = arith.constant 0 : i32
      %dma_start3A_435 = tpu.memref_slice %arg6[%run_scoped3A_382, %dma_start3A_433, %dma_start3A_434] : memref<4x160x128xf32, #tpu.memory_space<vmem>> -> memref<1x160x128xf32, #tpu.memory_space<vmem>>
      %dma_start3A_436 = tpu.memref_squeeze %dma_start3A_435 : memref<1x160x128xf32, #tpu.memory_space<vmem>> -> memref<160x128xf32, #tpu.memory_space<vmem>>
      tpu.enqueue_dma source(%dma_start3A_436 : memref<160x128xf32, #tpu.memory_space<vmem>>) target(%dma_start3A_432 : memref<160x128xf32, #tpu.memory_space<vmem_shared>>) target_semaphore(%run_scoped3A_420 : memref<!tpu.dma_semaphore, #tpu.memory_space<semaphore_mem>>)
      %dma_wait3A_437 = arith.constant 0 : i32
      %dma_wait3A_438 = arith.constant 0 : i32
      %dma_wait3A_439 = tpu.memref_slice %arg6[%run_scoped3A_382, %dma_wait3A_437, %dma_wait3A_438] : memref<4x160x128xf32, #tpu.memory_space<vmem>> -> memref<1x160x128xf32, #tpu.memory_space<vmem>>
      %dma_wait3A_440 = tpu.memref_squeeze %dma_wait3A_439 : memref<1x160x128xf32, #tpu.memory_space<vmem>> -> memref<160x128xf32, #tpu.memory_space<vmem>>
      %dma_wait3A_441 = arith.constant 0 : i32
      %dma_wait3A_442 = arith.constant 0 : i32
      %dma_wait3A_443 = tpu.memref_slice %arg7[%arg1, %run_scoped3A_383, %dma_wait3A_441, %dma_wait3A_442] : memref<16x2x160x128xf32, #tpu.memory_space<vmem_shared>> -> memref<1x1x160x128xf32, #tpu.memory_space<vmem_shared>>
      %dma_wait3A_444 = tpu.memref_squeeze %dma_wait3A_443 : memref<1x1x160x128xf32, #tpu.memory_space<vmem_shared>> -> memref<160x128xf32, #tpu.memory_space<vmem_shared>>
      %dma_wait3A_445 = arith.constant 0 : i32
      %dma_wait3A_446 = arith.constant 0 : i32
      %dma_wait3A_447 = tpu.memref_slice %arg7[%arg1, %run_scoped3A_383, %dma_wait3A_445, %dma_wait3A_446] : memref<16x2x160x128xf32, #tpu.memory_space<vmem_shared>> -> memref<1x1x160x128xf32, #tpu.memory_space<vmem_shared>>
      %dma_wait3A_448 = tpu.memref_squeeze %dma_wait3A_447 : memref<1x1x160x128xf32, #tpu.memory_space<vmem_shared>> -> memref<160x128xf32, #tpu.memory_space<vmem_shared>>
      %dma_wait3A_449 = arith.constant 0 : i32
      %dma_wait3A_450 = arith.constant 0 : i32
      %dma_wait3A_451 = tpu.memref_slice %arg6[%run_scoped3A_382, %dma_wait3A_449, %dma_wait3A_450] : memref<4x160x128xf32, #tpu.memory_space<vmem>> -> memref<1x160x128xf32, #tpu.memory_space<vmem>>
      %dma_wait3A_452 = tpu.memref_squeeze %dma_wait3A_451 : memref<1x160x128xf32, #tpu.memory_space<vmem>> -> memref<160x128xf32, #tpu.memory_space<vmem>>
      tpu.wait_dma2 semaphore(%run_scoped3A_420 : memref<!tpu.dma_semaphore, #tpu.memory_space<semaphore_mem>>) src(%dma_wait3A_452 : memref<160x128xf32, #tpu.memory_space<vmem>>) dst(%dma_wait3A_448 : memref<160x128xf32, #tpu.memory_space<vmem_shared>>)
      tpu.yield
    }) : () -> ()
    %add3A_384 = arith.constant 6240 : i32
    %add3A_385 = arith.addi %mul3A_2, %add3A_384 : i32
    %dma_start3A_386 = arith.constant 1 : i32
    %dma_start3A_387 = arith.constant 1 : i32
    %dma_start3A_388 = tpu.memref_slice %arg9[%dma_start3A_387] : memref<2x!tpu.dma_semaphore, #tpu.memory_space<semaphore_mem>> -> memref<1x!tpu.dma_semaphore, #tpu.memory_space<semaphore_mem>>
    %dma_start3A_389 = tpu.memref_squeeze %dma_start3A_388 : memref<1x!tpu.dma_semaphore, #tpu.memory_space<semaphore_mem>> -> memref<!tpu.dma_semaphore, #tpu.memory_space<semaphore_mem>>
    %dma_start3A_390 = arith.constant 0 : i32
    %dma_start3A_391 = tpu.memref_slice %arg4[%add3A_385, %dma_start3A_390] : memref<204800x128xf32, #tpu.memory_space<hbm>> -> memref<160x128xf32, #tpu.memory_space<hbm>>
    %dma_start3A_392 = arith.constant 0 : i32
    %dma_start3A_393 = arith.constant 0 : i32
    %dma_start3A_394 = tpu.memref_slice %arg7[%arg1, %dma_start3A_386, %dma_start3A_392, %dma_start3A_393] : memref<16x2x160x128xf32, #tpu.memory_space<vmem_shared>> -> memref<1x1x160x128xf32, #tpu.memory_space<vmem_shared>>
    %dma_start3A_395 = tpu.memref_squeeze %dma_start3A_394 : memref<1x1x160x128xf32, #tpu.memory_space<vmem_shared>> -> memref<160x128xf32, #tpu.memory_space<vmem_shared>>
    tpu.enqueue_dma source(%dma_start3A_395 : memref<160x128xf32, #tpu.memory_space<vmem_shared>>) target(%dma_start3A_391 : memref<160x128xf32, #tpu.memory_space<hbm>>) target_semaphore(%dma_start3A_389 : memref<!tpu.dma_semaphore, #tpu.memory_space<semaphore_mem>>)
    %add3A_396 = arith.constant 6080 : i32
    %add3A_397 = arith.addi %mul3A_2, %add3A_396 : i32
    %dma_wait3A_398 = arith.constant 0 : i32
    %dma_wait3A_399 = arith.constant 0 : i32
    %dma_wait3A_400 = tpu.memref_slice %arg9[%dma_wait3A_399] : memref<2x!tpu.dma_semaphore, #tpu.memory_space<semaphore_mem>> -> memref<1x!tpu.dma_semaphore, #tpu.memory_space<semaphore_mem>>
    %dma_wait3A_401 = tpu.memref_squeeze %dma_wait3A_400 : memref<1x!tpu.dma_semaphore, #tpu.memory_space<semaphore_mem>> -> memref<!tpu.dma_semaphore, #tpu.memory_space<semaphore_mem>>
    %dma_wait3A_402 = arith.constant 0 : i32
    %dma_wait3A_403 = tpu.memref_slice %arg4[%add3A_397, %dma_wait3A_402] : memref<204800x128xf32, #tpu.memory_space<hbm>> -> memref<160x128xf32, #tpu.memory_space<hbm>>
    %dma_wait3A_404 = arith.constant 0 : i32
    %dma_wait3A_405 = arith.constant 0 : i32
    %dma_wait3A_406 = tpu.memref_slice %arg7[%arg1, %dma_wait3A_398, %dma_wait3A_404, %dma_wait3A_405] : memref<16x2x160x128xf32, #tpu.memory_space<vmem_shared>> -> memref<1x1x160x128xf32, #tpu.memory_space<vmem_shared>>
    %dma_wait3A_407 = tpu.memref_squeeze %dma_wait3A_406 : memref<1x1x160x128xf32, #tpu.memory_space<vmem_shared>> -> memref<160x128xf32, #tpu.memory_space<vmem_shared>>
    tpu.wait_dma2 semaphore(%dma_wait3A_401 : memref<!tpu.dma_semaphore, #tpu.memory_space<semaphore_mem>>) src(%dma_wait3A_407 : memref<160x128xf32, #tpu.memory_space<vmem_shared>>) dst(%dma_wait3A_403 : memref<160x128xf32, #tpu.memory_space<hbm>>)
    %add3A_408 = arith.constant 6240 : i32
    %add3A_409 = arith.addi %mul3A_2, %add3A_408 : i32
    %dma_wait3A_410 = arith.constant 1 : i32
    %dma_wait3A_411 = arith.constant 1 : i32
    %dma_wait3A_412 = tpu.memref_slice %arg9[%dma_wait3A_411] : memref<2x!tpu.dma_semaphore, #tpu.memory_space<semaphore_mem>> -> memref<1x!tpu.dma_semaphore, #tpu.memory_space<semaphore_mem>>
    %dma_wait3A_413 = tpu.memref_squeeze %dma_wait3A_412 : memref<1x!tpu.dma_semaphore, #tpu.memory_space<semaphore_mem>> -> memref<!tpu.dma_semaphore, #tpu.memory_space<semaphore_mem>>
    %dma_wait3A_414 = arith.constant 0 : i32
    %dma_wait3A_415 = tpu.memref_slice %arg4[%add3A_409, %dma_wait3A_414] : memref<204800x128xf32, #tpu.memory_space<hbm>> -> memref<160x128xf32, #tpu.memory_space<hbm>>
    %dma_wait3A_416 = arith.constant 0 : i32
    %dma_wait3A_417 = arith.constant 0 : i32
    %dma_wait3A_418 = tpu.memref_slice %arg7[%arg1, %dma_wait3A_410, %dma_wait3A_416, %dma_wait3A_417] : memref<16x2x160x128xf32, #tpu.memory_space<vmem_shared>> -> memref<1x1x160x128xf32, #tpu.memory_space<vmem_shared>>
    %dma_wait3A_419 = tpu.memref_squeeze %dma_wait3A_418 : memref<1x1x160x128xf32, #tpu.memory_space<vmem_shared>> -> memref<160x128xf32, #tpu.memory_space<vmem_shared>>
    tpu.wait_dma2 semaphore(%dma_wait3A_413 : memref<!tpu.dma_semaphore, #tpu.memory_space<semaphore_mem>>) src(%dma_wait3A_419 : memref<160x128xf32, #tpu.memory_space<vmem_shared>>) dst(%dma_wait3A_415 : memref<160x128xf32, #tpu.memory_space<hbm>>)
    return
  }
}

</mosaic_0001>

<sc_bundles>
// kernel: kernel.3.cloned.1.call-start
scs
__scs_entry_jumppad:
0x0: {  	(pc) =	sbr.rel $0x88, $3  }
0x1: {  	(tag) =	ssettag $0x0;
	lr =	simm.s32 $0x1  }
0x2: {  	[smem:$0x3F9F] =	sst lr;
	_ =	strace $0xD0000000  }
0x3: {  	_ = 	snop  }
0x4: {  	_ = 	snop  }
0x5: {  	_ = 	snop  }
0x6: {  	_ = 	snop  }
0x7: {  	_ = 	snop  }
__scs_overlays_trampoline_lowered:
0x8: {  	[smem:$0x3FAE] =	sst s0  }
0x9: {  	[smem:$0x3FAF] =	sst s1  }
0xa: {  	[smem:$0x3FB0] =	sst s2  }
0xb: {  	[smem:$0x3FB1] =	sst s3  }
0xc: {  	[smem:$0x3FB2] =	sst s4  }
0xd: {  	[smem:$0x3FB3] =	sst s5  }
0xe: {  	[smem:$0x3FB4] =	sst s6  }
0xf: {  	[smem:$0x3FB5] =	sst s7  }
0x10: {  	[smem:$0x3FB6] =	sst s8  }
0x11: {  	[smem:$0x3FB7] =	sst s9;
	s0 =	simm.s32 @!p0 $0x0  }
0x12: {  	s1 =	sld [smem:$0x3F9D];
	s0 =	simm.s32 @p0 $0x1  }
0x13: {  	[smem:$0x3FB8] =	sst s0;
	s0 =	simm.s32 @!p1 $0x0  }
0x14: {  	s2 =	sld [smem:$0x3F9C];
	s0 =	simm.s32 @p1 $0x1  }
0x15: {  	[smem:$0x3FB9] =	sst s0;
	s0 =	simm.s32 @!p2 $0x0  }
0x16: {  	s3 =	sld [smem:$0x3FDB];
	s0 =	simm.s32 @p2 $0x1  }
0x17: {  	s4 =	simm.s32 $0x1BF5;
	[smem:$0x3FBB] =	sst s0  }
0x18: {  	s0 =	sld [smem:$0x3F9E];
	_ =	swait.ge [sflag:s4], $0x0  }
0x19: {  	s7 =	sld [smem:$0x3F9F]  }
0x1a: {  	s8 =	sadd.s32 $0xFFFFE003, lr  }
0x1b: {  	s9 =	sadd.s32 $0xFFFFFEF7, lr;
	s5 =	simm.s32 $0xFFFFFFFF;
	p2 =	slt.u32 s8, $0xFFFFF086  }
0x1c: {  	p1 =	slt.u32 s9, $0xF7A;
	s5 =	simm.s32 @!p2 $0x0  }
0x1d: {  	s5 =	simm.s32 @p1 $0x1;
	p0 =	seq.s32 s7, s2  }
0x1e: {  	s7 =	smul.u32 @!p0 $0xF7A, s2;
	p2 =	seq.s32 @!p0 s5, $0x0  }
0x1f: {  	s9 =	smul.u32 $0xF7A, s1;
	s8 =	simm.s32 @!p0 $0x1BF5;
	p2 =	por !p2, p0  }
0x20: {  	[sflag:s8] =	ssyncset.s32 @!p0 $0xFFFFF086;
	s6 =	sadd.s32 @!p0 s3, s7;
	s7 =	simm.s32 @!p0 $0x108  }
0x21: {  	s3 =	sadd.s32 s3, s9;
	s6 =	sadd.s32 @!p0 $0x88, s6;
	s7 =	simm.s32 @p2 $0x1082  }
0x22: {  	[simem:s7], [sflag:s8] =	dma.local @!p0 [hbm:s6], $0xF7A  }
0x23: {  	s9 =	sor.u32 $0xD0000000, s2;
	s6 =	simm.s32 $0x108;
	_ =	swait.ge @!p0 [sflag:s8], $0x0  }
0x24: {  	s3 =	sadd.s32 $0x88, s3;
	s6 =	simm.s32 @!p1 $0x1082;
	[sflag:s4] =	ssyncset.s32 $0xFFFFF086  }
0x25: {  	[simem:s6], [sflag:s4] =	dma.local [hbm:s3], $0xF7A  }
0x26: {  	[smem:$0x3F9F] =	sst s1;
	(tag) =	ssettag s2;
	_ =	strace s9  }
0x27: {  	s1 =	sld [smem:$0x3FAF]  }
0x28: {  	s2 =	sld [smem:$0x3FB0]  }
0x29: {  	s4 =	sld [smem:$0x3FB2]  }
0x2a: {  	p0 =	seq.s32 s5, $0x0;
	s5 =	sld [smem:$0x3FB3]  }
0x2b: {  	s6 =	sld [smem:$0x3FB4]  }
0x2c: {  	s7 =	sld [smem:$0x3FB5]  }
0x2d: {  	s3 =	simm.s32 $0x108;
	s8 =	sld [smem:$0x3FB6]  }
0x2e: {  	s3 =	simm.s32 @!p0 $0x1082;
	s9 =	sld [smem:$0x3FB7]  }
0x2f: {  	lr =	sadd.s32 s0, s3;
	s0 =	sld [smem:$0x3FAE]  }
0x30: {  	s3 =	sld [smem:$0x3FB1]  }
0x31: {  	[smem:$0x3FBA] =	sst s10  }
0x32: {  	s10 =	sld [smem:$0x3FB8];
	_ =	sdelay $0x3  }
0x33: {  	p0 =	seq.s32 s10, $0x1;
	s10 =	sld [smem:$0x3FBA];
	_ =	sdelay $0x3  }
0x34: {  	[smem:$0x3FBA] =	sst s10  }
0x35: {  	s10 =	sld [smem:$0x3FB9];
	_ =	sdelay $0x3  }
0x36: {  	p1 =	seq.s32 s10, $0x1;
	s10 =	sld [smem:$0x3FBA];
	_ =	sdelay $0x3  }
0x37: {  	[smem:$0x3FBA] =	sst s10  }
0x38: {  	s10 =	sld [smem:$0x3FBB]  }
0x39: {  	_ = 	snop;
	(pc) =	sbr.ind lr, $3  }
0x3a: {  	_ = 	snop  }
0x3b: {  	_ = 	snop  }
0x3c: {  	p2 =	seq.s32 s10, $0x1;
	s10 =	sld [smem:$0x3FBA]  }
0x3d: {  	_ =	shalt  }
0x3e: {  	_ =	shalt  }
0x3f: {  	_ =	shalt  }
0x40: {  	_ =	shalt  }
0x41: {  	_ =	shalt  }
0x42: {  	_ =	shalt  }
0x43: {  	_ =	shalt  }
0x44: {  	_ =	shalt  }
0x45: {  	_ =	shalt  }
0x46: {  	_ =	shalt  }
0x47: {  	_ =	shalt  }
0x48: {  	_ =	shalt  }
0x49: {  	_ =	shalt  }
0x4a: {  	_ =	shalt  }
0x4b: {  	_ =	shalt  }
0x4c: {  	_ =	shalt  }
0x4d: {  	_ =	shalt  }
0x4e: {  	_ =	shalt  }
0x4f: {  	_ =	shalt  }
0x50: {  	_ =	shalt  }
0x51: {  	_ =	shalt  }
0x52: {  	_ =	shalt  }
0x53: {  	_ =	shalt  }
0x54: {  	_ =	shalt  }
0x55: {  	_ =	shalt  }
0x56: {  	_ =	shalt  }
0x57: {  	_ =	shalt  }
0x58: {  	_ =	shalt  }
0x59: {  	_ =	shalt  }
0x5a: {  	_ =	shalt  }
0x5b: {  	_ =	shalt  }
0x5c: {  	_ =	shalt  }
0x5d: {  	_ =	shalt  }
0x5e: {  	_ =	shalt  }
0x5f: {  	_ =	shalt  }
0x60: {  	_ =	shalt  }
0x61: {  	_ =	shalt  }
0x62: {  	_ =	shalt  }
0x63: {  	_ =	shalt  }
0x64: {  	_ =	shalt  }
0x65: {  	_ =	shalt  }
0x66: {  	_ =	shalt  }
0x67: {  	_ =	shalt  }
0x68: {  	_ =	shalt  }
0x69: {  	_ =	shalt  }
0x6a: {  	_ =	shalt  }
0x6b: {  	_ =	shalt  }
0x6c: {  	_ =	shalt  }
0x6d: {  	_ =	shalt  }
0x6e: {  	_ =	shalt  }
0x6f: {  	_ =	shalt  }
0x70: {  	_ =	shalt  }
0x71: {  	_ =	shalt  }
0x72: {  	_ =	shalt  }
0x73: {  	_ =	shalt  }
0x74: {  	_ =	shalt  }
0x75: {  	_ =	shalt  }
0x76: {  	_ =	shalt  }
0x77: {  	_ =	shalt  }
0x78: {  	_ =	shalt  }
0x79: {  	_ =	shalt  }
0x7a: {  	_ =	shalt  }
0x7b: {  	_ =	shalt  }
0x7c: {  	_ =	shalt  }
0x7d: {  	_ =	shalt  }
0x7e: {  	_ =	shalt  }
0x7f: {  	_ =	shalt  }
0x80: {  	_ =	shalt  }
0x81: {  	_ =	shalt  }
0x82: {  	_ =	shalt  }
0x83: {  	_ =	shalt  }
0x84: {  	_ =	shalt  }
0x85: {  	_ =	shalt  }
0x86: {  	_ =	shalt  }
0x87: {  	_ =	shalt  }
.Lfunc_end0:
.L_simem_size_0:
called_computation_lowered:
.L_overlay_start_0:
0x88: {  	s2 =	sld [smem:$0x3FD9]  }
0x89: {  	s3 =	sld [smem:$0x3FFE];
	_ =	sdelay $0x1  }
0x8a: {  	s1 =	srdreg.scid  }
0x8b: {  	s0 =	sand.u32 $0x1, s1  }
0x8c: {  	s17 =	sshll.u32 s0, $0xA;
	s2 =	sadd.s32 s3, s2  }
0x8d: {  	s2 =	sadd.s32 s2, s17  }
0x8e: {  	[smem:$0x3FC6] =	sst s2  }
0x8f: {  	_ = 	snop  }
0x90: {  	s2 =	sld [smem:$0x3FC8]  }
0x91: {  	s18 =	sld [smem:$0x3FD0];
	(tm) =	ssettm $0x1  }
0x92: {  	s4 =	sld [smem:$0x3FFB];
	_ =	sdelay $0x3  }
0x93: {  	_ =	strace s4  }
0x94: {  	s4 =	sld [smem:$0x3FFC];
	_ =	sdelay $0x3  }
0x95: {  	_ =	strace s4  }
0x96: {  	s4 =	sld [smem:$0x3FFD];
	_ =	sdelay $0x3  }
0x97: {  	_ =	strace s4  }
0x98: {  	_ =	strace $0x8FFFFFFF  }
0x99: {  	s19 =	sld [smem:$0x3FDB];
	_ =	sdelay $0x1  }
0x9a: {  	s5 =	simm.s32 $_scs_section_size  }
0x9b: {  	s6 =	simm.s32 $_size__tile_overlayer_lowered;
	s7 =	simm.s32 $_tile_overlayer_lowered  }
0x9c: {  	s22 =	simm.s32 $0x1BFF;
	s21 =	sshll.u32 s7, $0x1;
	s4 =	sadd.s32 s5, s19  }
0x9d: {  	s8 =	simm.s32 $0x0;
	s20 =	sshll.u32 s6, $0x1;
	s6 =	sadd.s32 s21, s4  }
0x9e: {  	[timem:s8], [sflag:s22] =	dma.local [hbm:s6], s20  }
0x9f: {  	_ =	swait.ge [sflag:s22], s20  }
0xa0: {  	s5 =	ssub.s32 $0x0, s20;
	[sflag:s22] =	ssyncset.done $0x0  }
0xa1: {  	[sflag:s22] =	ssyncadd.s32 s5;
	_ =	sdelay $0x1  }
0xa2: {  	s23 =	simm.s32 $0x1B8B  }
0xa3: {  	_ =	swait.ge [sflag:s23], $0x1  }
0xa4: {  	[sflag:s23] =	ssyncset.done $0x0  }
0xa5: {  	s25 =	simm.s32 $0x1B8E;
	s24 =	sld [smem:$0x3FFE];
	[sflag:s23] =	ssyncadd.s32 $0xFFFFFFFF  }
0xa6: {  	s26 =	simm.s32 $execute0_lowered;
	[smem:$0x3FD2] =	sst s25  }
0xa7: {  	s6 =	sshll.u32 s26, $0x1;
	_ =	strace $0x80000046;
	[dreg:$0x1] =	wrdreg $0xFFFFFFFF  }
0xa8: {  	s28 =	simm.s32 $_size_execute0_lowered;
	s4 =	sadd.s32 s4, s6;
	[dreg:$0x0] =	wrdreg $0x0  }
0xa9: {  	s6 =	sshll.u32 s28, $0x1;
	[dreg:$0x2] =	wrdreg s4  }
0xaa: {  	[dreg:$0x3] =	wrdreg s6  }
0xab: {  	[dreg:$0x4] =	wrdreg $0xC0  }
0xac: {  	_ =	task [dreg:s8], $0x5FFFF  }
0xad: {  	[dreg:$0x1] =	wrdreg $0xFFFFFFFF  }
0xae: {  	[dreg:$0x0] =	wrdreg $0x60  }
0xaf: {  	[dreg:$0x2] =	wrdreg s2  }
0xb0: {  	[dreg:$0x3] =	wrdreg s24  }
0xb1: {  	[dreg:$0x4] =	wrdreg s18  }
0xb2: {  	[dreg:$0x5] =	wrdreg $0x159000  }
0xb3: {  	[dreg:$0x6] =	wrdreg $0x9  }
0xb4: {  	_ =	task.clear_ibuf [dreg:s8], $0x7FFFF;
	_ =	strace $0x90000046  }
0xb5: {  	s29 =	simm.s32 $0x9;
	_ =	strace $0x80000048  }
0xb6: {  	_ =	swait.ge [sflag:s29], $0x1  }
0xb7: {  	[sflag:s29] =	ssyncadd.s32 $0xFFFFFFFF  }
0xb8: {  	_ =	strace $0x90000048  }
0xb9: {  	_ =	sfence  }
0xba: {  	s30 =	sld [smem:$0x0];
	_ =	sdelay $0x2  }
0xbb: {  	s31 =	sshll.u32 s1, $0xD;
	s1 =	sshrl.u32 s1, $0x2  }
0xbc: {  	s3 =	sand.u32 $0x4000, s31;
	s1 =	sadd.s32 s1, s30  }
0xbd: {  	s0 =	sor.u32 s3, s0;
	s1 =	sshll.u32 s1, $0x11  }
0xbe: {  	s0 =	sor.u32 s1, s0  }
0xbf: {  	s0 =	sadd.s32 $0x8F2B, s0  }
0xc0: {  	[sflag:s0] =	ssyncadd.remote.s32 $0x1  }
0xc1: {  	_ =	sfence.sel $0xFFFF  }
0xc2: {  	[dreg:$0x0] =	wrdreg $0xFFFFFFFF;
	(pc) =	sbr.abs _section_cstart, $3  }
0xc3: {  	[dreg:$0x1] =	wrdreg $0xFFFFFFFF  }
0xc4: {  	_ =	task.clear_ibuf [dreg:s8], $0x2FFFF;
	_ =	strace $0x9FFFFFFF  }
0xc5: {  	(tm) =	ssettm $0x7FFFFFFF  }
tec
execute0_lowered:
.L_overlay_start_1:
0x0: {  	(tag) =	ssettag $0x1  }
0x1: {  	s1 =	rddreg [dreg:$0x0]  }
0x2: {  	s0 =	rddreg [dreg:$0x1]  }
0x3: {  	s2 =	srdreg.scid;
	s3 =	rddreg [dreg:$0x2]  }
0x4: {  	s10 =	stileid.u32;
	s5 =	rddreg [dreg:$0x3]  }
0x5: {  	s7 =	simm.s32 $0x0;
	s17 =	simm.s32 $0x7;
	s28 =	simm.s32 $0x2  }
0x6: {  	s30 =	simm.s32 $0x3;
	s2 =	sand.u32 $0x1, s2;
	s18 =	smul.u32 $0x28000, s10  }
0x7: {  	s4 =	sshll.u32 s10, $0x1;
	[smem:$0x7FF] =	sst s7;
	s22 =	smul.u32 $0x32000, s10  }
0x8: {  	s4 =	sor.u32 s2, s4;
	s19 =	ssub.s32 $0x2, s2;
	s2 =	smul.u32 $0x19000, s2  }
0x9: {  	s31 =	simm.s32 $0x5;
	_ =	strace $0x80000047;
	s6 =	smul.u32 $0x1900, s4  }
0xa: {  	s8 =	smul.u32 $0x19000, s4;
	s9 =	sshrl.u32 s19, $0x1;
	s7 =	sshrl.u32 s18, $0x2  }
0xb: {  	s4 =	smul.u32 $0xC8000, s4;
	s18 =	simm.s32 $0xA0;
	s6 =	sshrl.u32 s6, $0x3  }
0xc: {  	s9 =	ssub.s32 s19, s9;
	s5 =	sadd.s32 s7, s5;
	s0 =	sadd.s32 s6, s0  }
0xd: {  	s19 =	simm.s32 $0x1900;
	s6 =	sadd.s32 s3, s8;
	s0 =	sadd.s32 $0x400, s0  }
0xe: {  	s7 =	sadd.s32 $0x5000, s5;
	s21 =	sadd.s32 $0xA00, s6;
	[dreg:$0x5] =	wrdreg s0  }
0xf: {  	s20 =	sshrl.u32 s4, $0x3;
	s15 =	smax.u32 s9, $0x1;
	[dreg:$0x6] =	wrdreg s21  }
0x10: {  	s0 =	sadd.s32 s3, s20;
	s3 =	sadd.s32 s22, s3;
	s20 =	simm.s32 $0x6900  }
0x11: {  	s22 =	simm.s32 $0xB900;
	s21 =	simm.s32 $0x6;
	s23 =	sadd.s32 $0x1400, s0  }
0x12: {  	s24 =	sadd.s32 $0x1E00, s0;
	s25 =	sadd.s32 $0x16800, s0;
	[dreg:$0x7] =	wrdreg s23  }
0x13: {  	s26 =	sadd.s32 $0x17200, s0;
	s13 =	sadd.s32 $0x17C00, s0;
	[dreg:$0x8] =	wrdreg s24  }
0x14: {  	s14 =	sadd.s32 $0x18600, s0;
	s29 =	sadd.s32 s2, s3;
	[dreg:$0x9] =	wrdreg s25  }
0x15: {  	s0 =	simm.s32 $0x4;
	[dreg:$0xa] =	wrdreg s26;
	s9 =	sadd.s32 $0x4600, s29  }
0x16: {  	s24 =	simm.s32 $0x10900;
	s25 =	simm.s32 $0x1;
	s26 =	simm.s32 $0x0  }
.LBB2_1:
0x17: {  	s2 =	simm.s32 $0x0;
	s3 =	rddreg [dreg:$0x5]  }
0x18: {  	[tilespmem:s2], [sflag:$0x7] =	stream.linear.gather [hbm4b:s3+s2], $0x1900, $0x38;
	[tilespmem:$0x1F900] =	vst v63  }
0x19: {  	_ =	swait.ge [sflag:s17], $0x1900  }
0x1a: {  	[sflag:s17] =	ssyncset.done $0x0  }
0x1b: {  	[sflag:s17] =	ssyncadd.s32 $0xFFFFE700  }
0x1c: {  	[tilespmem:s19], [sflag:$0x1] =	stream.indirect.gather [hbm4b:s1+s18], $0x80, s2, s18, $0xb8;
	[tilespmem:$0x1F900] =	vst v63  }
0x1d: {  	_ = 	snop  }
0x1e: {  	[tilespmem:s20], [sflag:$0x2] =	stream.indirect.gather [hbm4b:s1+s18], $0x80, s18, s18, $0xb8;
	[tilespmem:$0x1F900] =	vst v63  }
0x1f: {  	s12 =	simm.s32 $0x140  }
0x20: {  	[tilespmem:s22], [sflag:$0x3] =	stream.indirect.gather [hbm4b:s1+s18], $0x80, s12, s18, $0xb8;
	[tilespmem:$0x1F900] =	vst v63  }
0x21: {  	s16 =	simm.s32 $0x1E0  }
0x22: {  	[tilespmem:s24], [sflag:$0x4] =	stream.indirect.gather [hbm4b:s1+s18], $0x80, s16, s18, $0xb8;
	[tilespmem:$0x1F900] =	vst v63  }
0x23: {  	_ =	swait.ge [sflag:s25], $0x5000  }
0x24: {  	[sflag:s25] =	ssyncset.done $0x0  }
0x25: {  	[sflag:s25] =	ssyncadd.s32 $0xFFFFB000  }
0x26: {  	[spmem:s5] =	stream.linear.scatter [tilespmem:s19], [sflag:$0x7], $0x5000, $0x38;
	[tilespmem:$0x1F900] =	vst v63  }
0x27: {  	_ =	swait.ge [sflag:s17], $0x5000  }
0x28: {  	s3 =	stileid.u32;
	[sflag:s17] =	ssyncset.done $0x0  }
0x29: {  	s23 =	simm.s32 $0x280;
	s2 =	sshll.u32 s3, $0x6;
	[sflag:s17] =	ssyncadd.s32 $0xFFFFB000  }
0x2a: {  	[tilespmem:s19], [sflag:$0x1] =	stream.indirect.gather [hbm4b:s1+s18], $0x80, s23, s18, $0xb8;
	[tilespmem:$0x1F900] =	vst v63  }
0x2b: {  	s29 =	sor.u32 $0x1C05, s2;
	s23 =	sshrl.u32 s5, $0x3  }
0x2c: {  	[hbm:s6], [sflag:s29] =	dma.local [spmem:s23], $0xA00  }
0x2d: {  	_ =	swait.ge [sflag:s28], $0x5000  }
0x2e: {  	[sflag:s28] =	ssyncset.done $0x0  }
0x2f: {  	[sflag:s28] =	ssyncadd.s32 $0xFFFFB000  }
0x30: {  	[spmem:s7] =	stream.linear.scatter [tilespmem:s20], [sflag:$0x7], $0x5000, $0x38;
	[tilespmem:$0x1F900] =	vst v63  }
0x31: {  	_ =	swait.ge [sflag:s17], $0x5000  }
0x32: {  	[sflag:s17] =	ssyncset.done $0x0  }
0x33: {  	s4 =	simm.s32 $0x320;
	[sflag:s17] =	ssyncadd.s32 $0xFFFFB000  }
0x34: {  	[tilespmem:s20], [sflag:$0x2] =	stream.indirect.gather [hbm4b:s1+s18], $0x80, s4, s18, $0xb8;
	[tilespmem:$0x1F900] =	vst v63  }
0x35: {  	s3 =	sshrl.u32 s7, $0x3;
	s2 =	sor.u32 $0x1C06, s2;
	s4 =	rddreg [dreg:$0x6]  }
0x36: {  	[hbm:s4], [sflag:s2] =	dma.local [spmem:s3], $0xA00  }
0x37: {  	_ =	swait.ge [sflag:s30], $0x5000  }
0x38: {  	[sflag:s30] =	ssyncset.done $0x0  }
0x39: {  	[sflag:s30] =	ssyncadd.s32 $0xFFFFB000  }
0x3a: {  	_ =	swait.ge [sflag:s31], $0xA00  }
0x3b: {  	[sflag:s31] =	ssyncset.done $0x0  }
0x3c: {  	[sflag:s31] =	ssyncadd.s32 $0xFFFFF600  }
0x3d: {  	[spmem:s5] =	stream.linear.scatter [tilespmem:s22], [sflag:$0x7], $0x5000, $0x38;
	[tilespmem:$0x1F900] =	vst v63  }
0x3e: {  	_ =	swait.ge [sflag:s17], $0x5000  }
0x3f: {  	[sflag:s17] =	ssyncset.done $0x0  }
0x40: {  	s8 =	simm.s32 $0x3C0;
	s10 =	rddreg [dreg:$0x7];
	[sflag:s17] =	ssyncadd.s32 $0xFFFFB000  }
0x41: {  	[tilespmem:s22], [sflag:$0x3] =	stream.indirect.gather [hbm4b:s1+s18], $0x80, s8, s18, $0xb8;
	[tilespmem:$0x1F900] =	vst v63  }
0x42: {  	[hbm:s10], [sflag:s29] =	dma.local [spmem:s23], $0xA00  }
0x43: {  	_ =	swait.ge [sflag:s0], $0x5000  }
0x44: {  	[sflag:s0] =	ssyncset.done $0x0  }
0x45: {  	[sflag:s0] =	ssyncadd.s32 $0xFFFFB000  }
0x46: {  	_ =	swait.ge [sflag:s21], $0xA00  }
0x47: {  	[sflag:s21] =	ssyncset.done $0x0  }
0x48: {  	[sflag:s21] =	ssyncadd.s32 $0xFFFFF600  }
0x49: {  	[spmem:s7] =	stream.linear.scatter [tilespmem:s24], [sflag:$0x7], $0x5000, $0x38;
	[tilespmem:$0x1F900] =	vst v63  }
0x4a: {  	_ =	swait.ge [sflag:s17], $0x5000  }
0x4b: {  	[sflag:s17] =	ssyncset.done $0x0  }
0x4c: {  	s11 =	simm.s32 $0x460;
	s12 =	rddreg [dreg:$0x8];
	[sflag:s17] =	ssyncadd.s32 $0xFFFFB000  }
0x4d: {  	[tilespmem:s24], [sflag:$0x4] =	stream.indirect.gather [hbm4b:s1+s18], $0x80, s11, s18, $0xb8;
	[tilespmem:$0x1F900] =	vst v63  }
0x4e: {  	[hbm:s12], [sflag:s2] =	dma.local [spmem:s3], $0xA00  }
0x4f: {  	_ =	swait.ge [sflag:s25], $0x5000  }
0x50: {  	[sflag:s25] =	ssyncset.done $0x0  }
0x51: {  	[sflag:s25] =	ssyncadd.s32 $0xFFFFB000  }
0x52: {  	_ =	swait.ge [sflag:s31], $0xA00  }
0x53: {  	[sflag:s31] =	ssyncset.done $0x0  }
0x54: {  	[sflag:s31] =	ssyncadd.s32 $0xFFFFF600  }
0x55: {  	[spmem:s5] =	stream.linear.scatter [tilespmem:s19], [sflag:$0x7], $0x5000, $0x38;
	[tilespmem:$0x1F900] =	vst v63  }
0x56: {  	_ =	swait.ge [sflag:s17], $0x5000  }
0x57: {  	[sflag:s17] =	ssyncset.done $0x0  }
0x58: {  	s16 =	simm.s32 $0x500;
	s8 =	sadd.s32 $0xFFFFE200, s9;
	[sflag:s17] =	ssyncadd.s32 $0xFFFFB000  }
0x59: {  	[tilespmem:s19], [sflag:$0x1] =	stream.indirect.gather [hbm4b:s1+s18], $0x80, s16, s18, $0xb8;
	[tilespmem:$0x1F900] =	vst v63  }
0x5a: {  	[hbm:s8], [sflag:s29] =	dma.local [spmem:s23], $0xA00  }
0x5b: {  	_ =	swait.ge [sflag:s28], $0x5000  }
0x5c: {  	[sflag:s28] =	ssyncset.done $0x0  }
0x5d: {  	[sflag:s28] =	ssyncadd.s32 $0xFFFFB000  }
0x5e: {  	_ =	swait.ge [sflag:s21], $0xA00  }
0x5f: {  	[sflag:s21] =	ssyncset.done $0x0  }
0x60: {  	[sflag:s21] =	ssyncadd.s32 $0xFFFFF600  }
0x61: {  	[spmem:s7] =	stream.linear.scatter [tilespmem:s20], [sflag:$0x7], $0x5000, $0x38;
	[tilespmem:$0x1F900] =	vst v63  }
0x62: {  	_ =	swait.ge [sflag:s17], $0x5000  }
0x63: {  	[sflag:s17] =	ssyncset.done $0x0  }
0x64: {  	s10 =	sadd.s32 $0xFFFFEC00, s9;
	s8 =	simm.s32 $0x5A0;
	[sflag:s17] =	ssyncadd.s32 $0xFFFFB000  }
0x65: {  	[tilespmem:s20], [sflag:$0x2] =	stream.indirect.gather [hbm4b:s1+s18], $0x80, s8, s18, $0xb8;
	[tilespmem:$0x1F900] =	vst v63  }
0x66: {  	[hbm:s10], [sflag:s2] =	dma.local [spmem:s3], $0xA00  }
0x67: {  	_ =	swait.ge [sflag:s30], $0x5000  }
0x68: {  	[sflag:s30] =	ssyncset.done $0x0  }
0x69: {  	[sflag:s30] =	ssyncadd.s32 $0xFFFFB000  }
0x6a: {  	_ =	swait.ge [sflag:s31], $0xA00  }
0x6b: {  	[sflag:s31] =	ssyncset.done $0x0  }
0x6c: {  	[sflag:s31] =	ssyncadd.s32 $0xFFFFF600  }
0x6d: {  	[spmem:s5] =	stream.linear.scatter [tilespmem:s22], [sflag:$0x7], $0x5000, $0x38;
	[tilespmem:$0x1F900] =	vst v63  }
0x6e: {  	_ =	swait.ge [sflag:s17], $0x5000  }
0x6f: {  	[sflag:s17] =	ssyncset.done $0x0  }
0x70: {  	s11 =	simm.s32 $0x640;
	s12 =	sadd.s32 $0xFFFFF600, s9;
	[sflag:s17] =	ssyncadd.s32 $0xFFFFB000  }
0x71: {  	[tilespmem:s22], [sflag:$0x3] =	stream.indirect.gather [hbm4b:s1+s18], $0x80, s11, s18, $0xb8;
	[tilespmem:$0x1F900] =	vst v63  }
0x72: {  	[hbm:s12], [sflag:s29] =	dma.local [spmem:s23], $0xA00  }
0x73: {  	_ =	swait.ge [sflag:s0], $0x5000  }
0x74: {  	[sflag:s0] =	ssyncset.done $0x0  }
0x75: {  	[sflag:s0] =	ssyncadd.s32 $0xFFFFB000  }
0x76: {  	_ =	swait.ge [sflag:s21], $0xA00  }
0x77: {  	[sflag:s21] =	ssyncset.done $0x0  }
0x78: {  	[sflag:s21] =	ssyncadd.s32 $0xFFFFF600  }
0x79: {  	[spmem:s7] =	stream.linear.scatter [tilespmem:s24], [sflag:$0x7], $0x5000, $0x38;
	[tilespmem:$0x1F900] =	vst v63  }
0x7a: {  	_ =	swait.ge [sflag:s17], $0x5000  }
0x7b: {  	[sflag:s17] =	ssyncset.done $0x0  }
0x7c: {  	s16 =	simm.s32 $0x6E0;
	[sflag:s17] =	ssyncadd.s32 $0xFFFFB000  }
0x7d: {  	[tilespmem:s24], [sflag:$0x4] =	stream.indirect.gather [hbm4b:s1+s18], $0x80, s16, s18, $0xb8;
	[tilespmem:$0x1F900] =	vst v63  }
0x7e: {  	s4 =	simm.s32 $0xA00;
	s8 =	sadd.s32 $0x2800, s9;
	s16 =	smov.u32 s9  }
.LBB2_2:
0x7f: {  	[hbm:s16], [sflag:s2] =	dma.local [spmem:s3], $0xA00  }
0x80: {  	p0 =	sne.s32 s4, $0x4600;
	s10 =	smov.u32 s4;
	s4 =	sadd.s32 $0xA00, s4  }
0x81: {  	s16 =	smov.u32 s8;
	_ =	swait.ge [sflag:s25], $0x5000  }
0x82: {  	[sflag:s25] =	ssyncset.done $0x0  }
0x83: {  	[sflag:s25] =	ssyncadd.s32 $0xFFFFB000  }
0x84: {  	_ =	swait.ge [sflag:s31], $0xA00  }
0x85: {  	[sflag:s31] =	ssyncset.done $0x0  }
0x86: {  	[sflag:s31] =	ssyncadd.s32 $0xFFFFF600  }
0x87: {  	[spmem:s5] =	stream.linear.scatter [tilespmem:s19], [sflag:$0x7], $0x5000, $0x38;
	[tilespmem:$0x1F900] =	vst v63  }
0x88: {  	_ =	swait.ge [sflag:s17], $0x5000  }
0x89: {  	s10 =	sshra.s32 s10, $0x2;
	[sflag:s17] =	ssyncset.done $0x0  }
0x8a: {  	s12 =	sadd.s32 $0xFFFFE200, s8;
	s11 =	sadd.s32 $0x500, s10;
	[sflag:s17] =	ssyncadd.s32 $0xFFFFB000  }
0x8b: {  	[tilespmem:s19], [sflag:$0x1] =	stream.indirect.gather [hbm4b:s1+s18], $0x80, s11, s18, $0xb8;
	[tilespmem:$0x1F900] =	vst v63  }
0x8c: {  	[hbm:s12], [sflag:s29] =	dma.local [spmem:s23], $0xA00  }
0x8d: {  	_ =	swait.ge [sflag:s28], $0x5000  }
0x8e: {  	[sflag:s28] =	ssyncset.done $0x0  }
0x8f: {  	[sflag:s28] =	ssyncadd.s32 $0xFFFFB000  }
0x90: {  	_ =	swait.ge [sflag:s21], $0xA00  }
0x91: {  	[sflag:s21] =	ssyncset.done $0x0  }
0x92: {  	[sflag:s21] =	ssyncadd.s32 $0xFFFFF600  }
0x93: {  	[spmem:s7] =	stream.linear.scatter [tilespmem:s20], [sflag:$0x7], $0x5000, $0x38;
	[tilespmem:$0x1F900] =	vst v63  }
0x94: {  	_ =	swait.ge [sflag:s17], $0x5000  }
0x95: {  	[sflag:s17] =	ssyncset.done $0x0  }
0x96: {  	s11 =	sadd.s32 $0x5A0, s10;
	s12 =	sadd.s32 $0xFFFFEC00, s8;
	[sflag:s17] =	ssyncadd.s32 $0xFFFFB000  }
0x97: {  	[tilespmem:s20], [sflag:$0x2] =	stream.indirect.gather [hbm4b:s1+s18], $0x80, s11, s18, $0xb8;
	[tilespmem:$0x1F900] =	vst v63  }
0x98: {  	[hbm:s12], [sflag:s2] =	dma.local [spmem:s3], $0xA00  }
0x99: {  	_ =	swait.ge [sflag:s30], $0x5000  }
0x9a: {  	[sflag:s30] =	ssyncset.done $0x0  }
0x9b: {  	[sflag:s30] =	ssyncadd.s32 $0xFFFFB000  }
0x9c: {  	_ =	swait.ge [sflag:s31], $0xA00  }
0x9d: {  	[sflag:s31] =	ssyncset.done $0x0  }
0x9e: {  	[sflag:s31] =	ssyncadd.s32 $0xFFFFF600  }
0x9f: {  	[spmem:s5] =	stream.linear.scatter [tilespmem:s22], [sflag:$0x7], $0x5000, $0x38;
	[tilespmem:$0x1F900] =	vst v63  }
0xa0: {  	_ =	swait.ge [sflag:s17], $0x5000  }
0xa1: {  	[sflag:s17] =	ssyncset.done $0x0  }
0xa2: {  	s11 =	sadd.s32 $0x640, s10;
	s12 =	sadd.s32 $0xFFFFF600, s8;
	[sflag:s17] =	ssyncadd.s32 $0xFFFFB000  }
0xa3: {  	[tilespmem:s22], [sflag:$0x3] =	stream.indirect.gather [hbm4b:s1+s18], $0x80, s11, s18, $0xb8;
	[tilespmem:$0x1F900] =	vst v63  }
0xa4: {  	[hbm:s12], [sflag:s29] =	dma.local [spmem:s23], $0xA00  }
0xa5: {  	_ =	swait.ge [sflag:s0], $0x5000  }
0xa6: {  	[sflag:s0] =	ssyncset.done $0x0  }
0xa7: {  	[sflag:s0] =	ssyncadd.s32 $0xFFFFB000  }
0xa8: {  	_ =	swait.ge [sflag:s21], $0xA00  }
0xa9: {  	[sflag:s21] =	ssyncset.done $0x0  }
0xaa: {  	[sflag:s21] =	ssyncadd.s32 $0xFFFFF600  }
0xab: {  	[spmem:s7] =	stream.linear.scatter [tilespmem:s24], [sflag:$0x7], $0x5000, $0x38;
	[tilespmem:$0x1F900] =	vst v63  }
.Ltmp0:
0xac: {  	_ = 	snop;
	(pc) =	sbr.rel @p0 .LBB2_2-.Ltmp0, $4  }
0xad: {  	_ =	swait.ge [sflag:s17], $0x5000  }
0xae: {  	[sflag:s17] =	ssyncset.done $0x0  }
0xaf: {  	s10 =	sadd.s32 $0x6E0, s10;
	s8 =	sadd.s32 $0x2800, s8;
	[sflag:s17] =	ssyncadd.s32 $0xFFFFB000  }
0xb0: {  	[tilespmem:s24], [sflag:$0x4] =	stream.indirect.gather [hbm4b:s1+s18], $0x80, s10, s18, $0xb8;
	[tilespmem:$0x1F900] =	vst v63  }
0xb1: {  	[hbm:s16], [sflag:s2] =	dma.local [spmem:s3], $0xA00  }
0xb2: {  	_ =	swait.ge [sflag:s25], $0x5000  }
0xb3: {  	[sflag:s25] =	ssyncset.done $0x0  }
0xb4: {  	[sflag:s25] =	ssyncadd.s32 $0xFFFFB000  }
0xb5: {  	_ =	swait.ge [sflag:s31], $0xA00  }
0xb6: {  	[sflag:s31] =	ssyncset.done $0x0  }
0xb7: {  	[sflag:s31] =	ssyncadd.s32 $0xFFFFF600  }
0xb8: {  	[spmem:s5] =	stream.linear.scatter [tilespmem:s19], [sflag:$0x7], $0x5000, $0x38;
	[tilespmem:$0x1F900] =	vst v63  }
0xb9: {  	_ =	swait.ge [sflag:s17], $0x5000  }
0xba: {  	[sflag:s17] =	ssyncset.done $0x0  }
0xbb: {  	s4 =	rddreg [dreg:$0x9];
	[sflag:s17] =	ssyncadd.s32 $0xFFFFB000  }
0xbc: {  	[hbm:s4], [sflag:s29] =	dma.local [spmem:s23], $0xA00  }
0xbd: {  	_ =	swait.ge [sflag:s28], $0x5000  }
0xbe: {  	[sflag:s28] =	ssyncset.done $0x0  }
0xbf: {  	[sflag:s28] =	ssyncadd.s32 $0xFFFFB000  }
0xc0: {  	_ =	swait.ge [sflag:s21], $0xA00  }
0xc1: {  	[sflag:s21] =	ssyncset.done $0x0  }
0xc2: {  	[sflag:s21] =	ssyncadd.s32 $0xFFFFF600  }
0xc3: {  	[spmem:s7] =	stream.linear.scatter [tilespmem:s20], [sflag:$0x7], $0x5000, $0x38;
	[tilespmem:$0x1F900] =	vst v63  }
0xc4: {  	_ =	swait.ge [sflag:s17], $0x5000  }
0xc5: {  	[sflag:s17] =	ssyncset.done $0x0  }
0xc6: {  	s16 =	rddreg [dreg:$0xa];
	[sflag:s17] =	ssyncadd.s32 $0xFFFFB000  }
0xc7: {  	[hbm:s16], [sflag:s2] =	dma.local [spmem:s3], $0xA00  }
0xc8: {  	_ =	swait.ge [sflag:s30], $0x5000  }
0xc9: {  	[sflag:s30] =	ssyncset.done $0x0  }
0xca: {  	[sflag:s30] =	ssyncadd.s32 $0xFFFFB000  }
0xcb: {  	_ =	swait.ge [sflag:s31], $0xA00  }
0xcc: {  	[sflag:s31] =	ssyncset.done $0x0  }
0xcd: {  	[sflag:s31] =	ssyncadd.s32 $0xFFFFF600  }
0xce: {  	[spmem:s5] =	stream.linear.scatter [tilespmem:s22], [sflag:$0x7], $0x5000, $0x38;
	[tilespmem:$0x1F900] =	vst v63  }
0xcf: {  	_ =	swait.ge [sflag:s17], $0x5000  }
0xd0: {  	[sflag:s17] =	ssyncset.done $0x0  }
0xd1: {  	[sflag:s17] =	ssyncadd.s32 $0xFFFFB000  }
0xd2: {  	[hbm:s13], [sflag:s29] =	dma.local [spmem:s23], $0xA00  }
0xd3: {  	_ =	swait.ge [sflag:s0], $0x5000  }
0xd4: {  	[sflag:s0] =	ssyncset.done $0x0  }
0xd5: {  	[sflag:s0] =	ssyncadd.s32 $0xFFFFB000  }
0xd6: {  	_ =	swait.ge [sflag:s21], $0xA00  }
0xd7: {  	[sflag:s21] =	ssyncset.done $0x0  }
0xd8: {  	[sflag:s21] =	ssyncadd.s32 $0xFFFFF600  }
0xd9: {  	[spmem:s7] =	stream.linear.scatter [tilespmem:s24], [sflag:$0x7], $0x5000, $0x38;
	[tilespmem:$0x1F900] =	vst v63  }
0xda: {  	_ =	swait.ge [sflag:s17], $0x5000  }
0xdb: {  	[sflag:s17] =	ssyncset.done $0x0  }
0xdc: {  	s26 =	sadd.s32 $0x1, s26;
	[sflag:s17] =	ssyncadd.s32 $0xFFFFB000  }
0xdd: {  	[hbm:s14], [sflag:s2] =	dma.local [spmem:s3], $0xA00  }
0xde: {  	p0 =	sne.s32 s26, s15;
	_ =	swait.ge [sflag:s31], $0xA00  }
.Ltmp1:
0xdf: {  	[sflag:s31] =	ssyncset.done $0x0;
	(pc) =	sbr.rel @p0 .LBB2_1-.Ltmp1, $4  }
0xe0: {  	[sflag:s31] =	ssyncadd.s32 $0xFFFFF600  }
0xe1: {  	_ =	swait.ge [sflag:s21], $0xA00  }
0xe2: {  	[sflag:s21] =	ssyncset.done $0x0  }
0xe3: {  	[sflag:s21] =	ssyncadd.s32 $0xFFFFF600  }
0xe4: {  	_ =	sfence.sel $0x180000  }
0xe5: {  	[bflag:$0x0] =	sbarrier.arrive $0xFFFF  }
0xe6: {  	_ =	strace $0x90000047  }
0xe7: {  	s0 =	stileid.u32;
	[bflag:$0x2] =	sbarrier.arrive $0xFFFF  }
0xe8: {  	p0 =	sne.s32 s0, $0x0;
	s0 =	rddreg [dreg:$0x4]  }
0xe9: {  	s0 =	sadd.s32 @!p0 $0x100000, s0  }
0xea: {  	[sflag:s0] =	ssyncadd.tile.s32 @!p0 $0x1;
	_ =	shalt  }
.Lfunc_end2:
_tile_overlayer_lowered:
.L_overlay_start_2:
0xeb: {  	(tag) =	ssettag $0x2  }
0xec: {  	s0 =	rddreg [dreg:$0x0];
	s2 =	stileid.u32  }
0xed: {  	s1 =	rddreg [dreg:$0x1];
	p0 =	sne.s32 s2, $0x0  }
0xee: {  	s3 =	rddreg [dreg:$0x2];
	[bflag:$0x3] =	sbarrier.arrive $0xFFFF;
	s2 =	simm.s32 @!p0 $0x1C07  }
0xef: {  	[timem:s3], [sflag:s2] =	dma.local @!p0 [hbm:s0], s1  }
0xf0: {  	s0 =	simm.s32 @!p0 $0x7  }
0xf1: {  	_ =	swait.ge @!p0 [sflag:s0], s1  }
0xf2: {  	s1 =	ssub.s32 @!p0 $0x0, s1;
	[sflag:s0] =	ssyncset.done @!p0 $0x0  }
0xf3: {  	[sflag:s0] =	ssyncadd.s32 @!p0 s1  }
0xf4: {  	[bflag:$0x3] =	sbarrier.arrive $0xFFFF  }
0xf5: {  	_ =	shalt  }

</sc_bundles>
